<compile_context>
chip_gen: v7x
topology: tpu7x:2x2x1
jax: 0.10.2.dev20260603
libtpu: 0.0.44.dev20260713+nightly
codegen_flags: <defaults>
</compile_context>

<pallas_src>
import functools

import jax
import jax.numpy as jnp
from jax import lax
from jax.experimental import pallas as pl
from jax.experimental.pallas import tpu as pltpu
from jax.experimental.pallas import tpu_sc as plsc

_EMBED = 64
_BATCH = 16384
_NUM_CORES = 2
_NUM_SUBCORES = 16
_NW = _NUM_CORES * _NUM_SUBCORES
_ROWS = 24
_L = 16
_W = 128


def _build(B, D):
    b_per_w = B // _NW
    chunk = 128
    n_chunks = b_per_w // chunk
    jrows = 3 * chunk
    sub = 3
    srows = jrows // sub
    mesh = plsc.VectorSubcoreMesh(core_axis_name="c", subcore_axis_name="s")

    @functools.partial(
        pl.kernel,
        out_type=jax.ShapeDtypeStruct((B, 3 * D), jnp.float32),
        mesh=mesh,
        scratch_types=[
            pltpu.VMEM((sub, srows), jnp.int32),
            pltpu.VMEM((jrows, _W), jnp.float32),
            pltpu.VMEM((chunk, 3 * D), jnp.float32),
            pltpu.SemaphoreType.DMA,
            pltpu.SemaphoreType.DMA,
        ],
    )
    def k(j_hbm, t_hbm, out_hbm, jv, gb, ob, gsem, osem):
        wid = lax.axis_index("s") * _NUM_CORES + lax.axis_index("c")
        base = wid * b_per_w

        outp = [None]

        for ch in range(n_chunks):
            pltpu.sync_copy(j_hbm.at[wid * n_chunks + ch], jv)
            gath = [
                pltpu.async_copy(t_hbm.at[jv.at[i]],
                                 gb.at[pl.ds(i * srows, srows), :], gsem)
                for i in range(sub)
            ]
            for g in gath:
                g.wait()
            if outp[0] is not None:
                outp[0].wait()

            @plsc.parallel_loop(0, chunk, 1, unroll=1)
            def copy_row(r):
                for t in range(3):
                    for c in range(0, D, _L):
                        ob[r, pl.ds(t * D + c, _L)] = gb[3 * r + t,
                                                         pl.ds(c, _L)]

            outp[0] = pltpu.async_copy(
                ob, out_hbm.at[pl.ds(base + ch * chunk, chunk), :], osem)
        outp[0].wait()

    return k


_kernel_fn = _build(_BATCH, _EMBED)


def kernel(x, poi_table, user_table, hour_table):
    t = jnp.concatenate(
        (poi_table[:_ROWS], user_table[:_ROWS], hour_table[:_ROWS]), axis=0)
    t = jnp.pad(t, ((0, 0), (0, _W - _EMBED)))
    t = jnp.tile(t, (_NW, 1))
    j = jnp.stack(
        (x[0], x[2] + _ROWS, x[3] + 2 * _ROWS), axis=1).reshape(-1)
    per_w = 3 * (_BATCH // _NW)
    j = j + (jnp.arange(3 * _BATCH, dtype=jnp.int32) // per_w) * (3 * _ROWS)
    j = j.reshape(_NW * 4, 3, _W)
    return _kernel_fn(j, t)

# --- scband reference (transcript-rebuilt; emitter-appended) ---
"""Pipeline reference for scband-poi-user-embedding-71674414235667 (READ-ONLY COPY).

The authoritative reference and input builder live on the scoring server;
editing this copy changes nothing except your own understanding.
"""

import jax, jax.numpy as jnp
import numpy as np

POI_NUM = 1000000
USER_NUM = 100000
HOUR_NUM = 24
EMBED = 64
BATCH = 16384


def setup_inputs(seed: int = 0) -> dict:
    key = jax.random.key(seed)
    k1, k2, k3, k4 = jax.random.split(key, 4)
    x = jax.random.randint(k1, (4, BATCH), 0, 24, dtype=jnp.int64 if jax.config.read('jax_enable_x64') else jnp.int32)
    x = x.astype(jnp.int32)
    poi_table = jax.random.normal(k2, (POI_NUM + 1, EMBED), dtype=jnp.float32)
    user_table = jax.random.normal(k3, (USER_NUM + 1, EMBED), dtype=jnp.float32)
    hour_table = jax.random.normal(k4, (HOUR_NUM + 1, EMBED), dtype=jnp.float32)
    # padding rows are zero, matching nn.Embedding(padding_idx=...) init
    poi_table = poi_table.at[POI_NUM].set(0.0)
    user_table = user_table.at[USER_NUM].set(0.0)
    hour_table = hour_table.at[HOUR_NUM].set(0.0)
    return {"x": x, "poi_table": poi_table, "user_table": user_table, "hour_table": hour_table}


def reference(x, poi_table, user_table, hour_table):
    poi_emb = jnp.take(poi_table, x[0], axis=0)
    user_emb = jnp.take(user_table, x[2], axis=0)
    hour_emb = jnp.take(hour_table, x[3], axis=0)
    return jnp.concatenate((poi_emb, user_emb, hour_emb), axis=1)

if __name__ == "__main__":
    import jax
    _d = setup_inputs()
    print(jax.jit(kernel)(*tuple(_d.values())))

</pallas_src>

<mosaic_0001>
#map = affine_map<(d0, d1) -> (0, 0, 0)>
#map1 = affine_map<(d0, d1) -> (0, 0)>
module attributes {stable_mosaic.version = 14 : i64} {
  func.func @k(%arg0: i32, %arg1: i32, %arg2: memref<128x3x128xi32, #tpu.memory_space<hbm>>, %arg3: memref<2304x128xf32, #tpu.memory_space<hbm>>, %arg4: memref<16384x192xf32, #tpu.memory_space<hbm>>, %arg5: memref<3x128xi32, #tpu.memory_space<vmem>>, %arg6: memref<384x128xf32, #tpu.memory_space<vmem>>, %arg7: memref<128x192xf32, #tpu.memory_space<vmem>>, %arg8: memref<!tpu.dma_semaphore, #tpu.memory_space<semaphore_mem>>, %arg9: memref<!tpu.dma_semaphore, #tpu.memory_space<semaphore_mem>>) attributes {dimension_semantics = [#tpu.dimension_semantics<core_parallel>, #tpu.dimension_semantics<subcore_parallel>], iteration_bounds = array<i64: 2, 16>, scalar_prefetch = 0 : i64, scratch_operands = 5 : i64, tpu.core_type = #tpu.core_type<sc_vector_subcore>, window_params = [{transform_indices = #map}, {transform_indices = #map1}, {transform_indices = #map1}]} {
    %mul3A = arith.constant 2 : i32
    %mul3A_0 = arith.muli %arg1, %mul3A : i32
    %add3A = arith.addi %mul3A_0, %arg0 : i32
    %mul3A_1 = arith.constant 512 : i32
    %mul3A_2 = arith.muli %add3A, %mul3A_1 : i32
    %mul3A_3 = arith.constant 4 : i32
    %mul3A_4 = arith.muli %add3A, %mul3A_3 : i32
    %add3A_5 = arith.constant 0 : i32
    %add3A_6 = arith.addi %mul3A_4, %add3A_5 : i32
    "tpu.region"() ({
      %run_scoped3A = tpu.sem_alloc : memref<!tpu.dma_semaphore, #tpu.memory_space<semaphore_mem>>
      %dma_start3A_308 = arith.constant 0 : i32
      %dma_start3A_309 = arith.constant 0 : i32
      %dma_start3A_310 = tpu.memref_slice %arg2[%add3A_6, %dma_start3A_308, %dma_start3A_309] : memref<128x3x128xi32, #tpu.memory_space<hbm>> -> memref<1x3x128xi32, #tpu.memory_space<hbm>>
      %dma_start3A_311 = tpu.memref_squeeze %dma_start3A_310 : memref<1x3x128xi32, #tpu.memory_space<hbm>> -> memref<3x128xi32, #tpu.memory_space<hbm>>
      %dma_start3A_312 = arith.constant 0 : i32
      %dma_start3A_313 = arith.constant 0 : i32
      %dma_start3A_314 = tpu.memref_slice %arg2[%add3A_6, %dma_start3A_312, %dma_start3A_313] : memref<128x3x128xi32, #tpu.memory_space<hbm>> -> memref<1x3x128xi32, #tpu.memory_space<hbm>>
      %dma_start3A_315 = tpu.memref_squeeze %dma_start3A_314 : memref<1x3x128xi32, #tpu.memory_space<hbm>> -> memref<3x128xi32, #tpu.memory_space<hbm>>
      tpu.enqueue_dma source(%dma_start3A_315 : memref<3x128xi32, #tpu.memory_space<hbm>>) target(%arg5 : memref<3x128xi32, #tpu.memory_space<vmem>>) target_semaphore(%run_scoped3A : memref<!tpu.dma_semaphore, #tpu.memory_space<semaphore_mem>>)
      %dma_wait3A_316 = arith.constant 0 : i32
      %dma_wait3A_317 = arith.constant 0 : i32
      %dma_wait3A_318 = tpu.memref_slice %arg2[%add3A_6, %dma_wait3A_316, %dma_wait3A_317] : memref<128x3x128xi32, #tpu.memory_space<hbm>> -> memref<1x3x128xi32, #tpu.memory_space<hbm>>
      %dma_wait3A_319 = tpu.memref_squeeze %dma_wait3A_318 : memref<1x3x128xi32, #tpu.memory_space<hbm>> -> memref<3x128xi32, #tpu.memory_space<hbm>>
      %dma_wait3A_320 = arith.constant 0 : i32
      %dma_wait3A_321 = arith.constant 0 : i32
      %dma_wait3A_322 = tpu.memref_slice %arg2[%add3A_6, %dma_wait3A_320, %dma_wait3A_321] : memref<128x3x128xi32, #tpu.memory_space<hbm>> -> memref<1x3x128xi32, #tpu.memory_space<hbm>>
      %dma_wait3A_323 = tpu.memref_squeeze %dma_wait3A_322 : memref<1x3x128xi32, #tpu.memory_space<hbm>> -> memref<3x128xi32, #tpu.memory_space<hbm>>
      tpu.wait_dma2 semaphore(%run_scoped3A : memref<!tpu.dma_semaphore, #tpu.memory_space<semaphore_mem>>) src(%dma_wait3A_323 : memref<3x128xi32, #tpu.memory_space<hbm>>) dst(%arg5 : memref<3x128xi32, #tpu.memory_space<vmem>>)
      tpu.yield
    }) : () -> ()
    %dma_start3A = arith.constant 0 : i32
    %dma_start3A_7 = arith.constant 0 : i32
    %dma_start3A_8 = arith.constant 0 : i32
    %dma_start3A_9 = tpu.memref_slice %arg6[%dma_start3A_7, %dma_start3A_8] : memref<384x128xf32, #tpu.memory_space<vmem>> -> memref<128x128xf32, #tpu.memory_space<vmem>>
    %dma_start3A_10 = arith.constant 0 : i32
    %dma_start3A_11 = tpu.memref_slice %arg5[%dma_start3A, %dma_start3A_10] : memref<3x128xi32, #tpu.memory_space<vmem>> -> memref<1x128xi32, #tpu.memory_space<vmem>>
    %dma_start3A_12 = tpu.memref_squeeze %dma_start3A_11 : memref<1x128xi32, #tpu.memory_space<vmem>> -> memref<128xi32, #tpu.memory_space<vmem>>
    %dma_start3A_13 = arith.constant 0 : i32
    %dma_start3A_14 = arith.constant 0 : i32
    %dma_start3A_15 = tpu.memref_slice %arg3[%dma_start3A_13, %dma_start3A_14] : memref<2304x128xf32, #tpu.memory_space<hbm>> -> memref<2304x128xf32, #tpu.memory_space<hbm>>
    tpu.enqueue_indirect_dma source(%dma_start3A_15 : memref<2304x128xf32, #tpu.memory_space<hbm>>) target(%dma_start3A_9 : memref<128x128xf32, #tpu.memory_space<vmem>>) offsets(%dma_start3A_12 : memref<128xi32, #tpu.memory_space<vmem>>) semaphore(%arg8 : memref<!tpu.dma_semaphore, #tpu.memory_space<semaphore_mem>>)
    %dma_start3A_16 = arith.constant 1 : i32
    %dma_start3A_17 = arith.constant 128 : i32
    %dma_start3A_18 = arith.constant 0 : i32
    %dma_start3A_19 = tpu.memref_slice %arg6[%dma_start3A_17, %dma_start3A_18] : memref<384x128xf32, #tpu.memory_space<vmem>> -> memref<128x128xf32, #tpu.memory_space<vmem>>
    %dma_start3A_20 = arith.constant 0 : i32
    %dma_start3A_21 = tpu.memref_slice %arg5[%dma_start3A_16, %dma_start3A_20] : memref<3x128xi32, #tpu.memory_space<vmem>> -> memref<1x128xi32, #tpu.memory_space<vmem>>
    %dma_start3A_22 = tpu.memref_squeeze %dma_start3A_21 : memref<1x128xi32, #tpu.memory_space<vmem>> -> memref<128xi32, #tpu.memory_space<vmem>>
    %dma_start3A_23 = arith.constant 0 : i32
    %dma_start3A_24 = arith.constant 0 : i32
    %dma_start3A_25 = tpu.memref_slice %arg3[%dma_start3A_23, %dma_start3A_24] : memref<2304x128xf32, #tpu.memory_space<hbm>> -> memref<2304x128xf32, #tpu.memory_space<hbm>>
    tpu.enqueue_indirect_dma source(%dma_start3A_25 : memref<2304x128xf32, #tpu.memory_space<hbm>>) target(%dma_start3A_19 : memref<128x128xf32, #tpu.memory_space<vmem>>) offsets(%dma_start3A_22 : memref<128xi32, #tpu.memory_space<vmem>>) semaphore(%arg8 : memref<!tpu.dma_semaphore, #tpu.memory_space<semaphore_mem>>)
    %dma_start3A_26 = arith.constant 2 : i32
    %dma_start3A_27 = arith.constant 256 : i32
    %dma_start3A_28 = arith.constant 0 : i32
    %dma_start3A_29 = tpu.memref_slice %arg6[%dma_start3A_27, %dma_start3A_28] : memref<384x128xf32, #tpu.memory_space<vmem>> -> memref<128x128xf32, #tpu.memory_space<vmem>>
    %dma_start3A_30 = arith.constant 0 : i32
    %dma_start3A_31 = tpu.memref_slice %arg5[%dma_start3A_26, %dma_start3A_30] : memref<3x128xi32, #tpu.memory_space<vmem>> -> memref<1x128xi32, #tpu.memory_space<vmem>>
    %dma_start3A_32 = tpu.memref_squeeze %dma_start3A_31 : memref<1x128xi32, #tpu.memory_space<vmem>> -> memref<128xi32, #tpu.memory_space<vmem>>
    %dma_start3A_33 = arith.constant 0 : i32
    %dma_start3A_34 = arith.constant 0 : i32
    %dma_start3A_35 = tpu.memref_slice %arg3[%dma_start3A_33, %dma_start3A_34] : memref<2304x128xf32, #tpu.memory_space<hbm>> -> memref<2304x128xf32, #tpu.memory_space<hbm>>
    tpu.enqueue_indirect_dma source(%dma_start3A_35 : memref<2304x128xf32, #tpu.memory_space<hbm>>) target(%dma_start3A_29 : memref<128x128xf32, #tpu.memory_space<vmem>>) offsets(%dma_start3A_32 : memref<128xi32, #tpu.memory_space<vmem>>) semaphore(%arg8 : memref<!tpu.dma_semaphore, #tpu.memory_space<semaphore_mem>>)
    %dma_wait3A = arith.constant 0 : i32
    %dma_wait3A_36 = arith.constant 0 : i32
    %dma_wait3A_37 = arith.constant 0 : i32
    %dma_wait3A_38 = tpu.memref_slice %arg6[%dma_wait3A_36, %dma_wait3A_37] : memref<384x128xf32, #tpu.memory_space<vmem>> -> memref<128x128xf32, #tpu.memory_space<vmem>>
    %dma_wait3A_39 = arith.constant 0 : i32
    %dma_wait3A_40 = tpu.memref_slice %arg5[%dma_wait3A, %dma_wait3A_39] : memref<3x128xi32, #tpu.memory_space<vmem>> -> memref<1x128xi32, #tpu.memory_space<vmem>>
    %dma_wait3A_41 = tpu.memref_squeeze %dma_wait3A_40 : memref<1x128xi32, #tpu.memory_space<vmem>> -> memref<128xi32, #tpu.memory_space<vmem>>
    %dma_wait3A_42 = arith.constant 0 : i32
    %dma_wait3A_43 = arith.constant 0 : i32
    %dma_wait3A_44 = tpu.memref_slice %arg3[%dma_wait3A_42, %dma_wait3A_43] : memref<2304x128xf32, #tpu.memory_space<hbm>> -> memref<2304x128xf32, #tpu.memory_space<hbm>>
    tpu.wait_indirect_dma semaphore(%arg8 : memref<!tpu.dma_semaphore, #tpu.memory_space<semaphore_mem>>) src(%dma_wait3A_44 : memref<2304x128xf32, #tpu.memory_space<hbm>>) dst(%dma_wait3A_38 : memref<128x128xf32, #tpu.memory_space<vmem>>)
    %dma_wait3A_45 = arith.constant 1 : i32
    %dma_wait3A_46 = arith.constant 128 : i32
    %dma_wait3A_47 = arith.constant 0 : i32
    %dma_wait3A_48 = tpu.memref_slice %arg6[%dma_wait3A_46, %dma_wait3A_47] : memref<384x128xf32, #tpu.memory_space<vmem>> -> memref<128x128xf32, #tpu.memory_space<vmem>>
    %dma_wait3A_49 = arith.constant 0 : i32
    %dma_wait3A_50 = tpu.memref_slice %arg5[%dma_wait3A_45, %dma_wait3A_49] : memref<3x128xi32, #tpu.memory_space<vmem>> -> memref<1x128xi32, #tpu.memory_space<vmem>>
    %dma_wait3A_51 = tpu.memref_squeeze %dma_wait3A_50 : memref<1x128xi32, #tpu.memory_space<vmem>> -> memref<128xi32, #tpu.memory_space<vmem>>
    %dma_wait3A_52 = arith.constant 0 : i32
    %dma_wait3A_53 = arith.constant 0 : i32
    %dma_wait3A_54 = tpu.memref_slice %arg3[%dma_wait3A_52, %dma_wait3A_53] : memref<2304x128xf32, #tpu.memory_space<hbm>> -> memref<2304x128xf32, #tpu.memory_space<hbm>>
    tpu.wait_indirect_dma semaphore(%arg8 : memref<!tpu.dma_semaphore, #tpu.memory_space<semaphore_mem>>) src(%dma_wait3A_54 : memref<2304x128xf32, #tpu.memory_space<hbm>>) dst(%dma_wait3A_48 : memref<128x128xf32, #tpu.memory_space<vmem>>)
    %dma_wait3A_55 = arith.constant 2 : i32
    %dma_wait3A_56 = arith.constant 256 : i32
    %dma_wait3A_57 = arith.constant 0 : i32
    %dma_wait3A_58 = tpu.memref_slice %arg6[%dma_wait3A_56, %dma_wait3A_57] : memref<384x128xf32, #tpu.memory_space<vmem>> -> memref<128x128xf32, #tpu.memory_space<vmem>>
    %dma_wait3A_59 = arith.constant 0 : i32
    %dma_wait3A_60 = tpu.memref_slice %arg5[%dma_wait3A_55, %dma_wait3A_59] : memref<3x128xi32, #tpu.memory_space<vmem>> -> memref<1x128xi32, #tpu.memory_space<vmem>>
    %dma_wait3A_61 = tpu.memref_squeeze %dma_wait3A_60 : memref<1x128xi32, #tpu.memory_space<vmem>> -> memref<128xi32, #tpu.memory_space<vmem>>
    %dma_wait3A_62 = arith.constant 0 : i32
    %dma_wait3A_63 = arith.constant 0 : i32
    %dma_wait3A_64 = tpu.memref_slice %arg3[%dma_wait3A_62, %dma_wait3A_63] : memref<2304x128xf32, #tpu.memory_space<hbm>> -> memref<2304x128xf32, #tpu.memory_space<hbm>>
    tpu.wait_indirect_dma semaphore(%arg8 : memref<!tpu.dma_semaphore, #tpu.memory_space<semaphore_mem>>) src(%dma_wait3A_64 : memref<2304x128xf32, #tpu.memory_space<hbm>>) dst(%dma_wait3A_58 : memref<128x128xf32, #tpu.memory_space<vmem>>)
    %parallel_loop3A = arith.constant 0 : i32
    %parallel_loop3A_65 = arith.constant 128 : i32
    %parallel_loop3A_66 = arith.constant 1 : i32
    scf.for %parallel_loop3A_308 = %parallel_loop3A to %parallel_loop3A_65 step %parallel_loop3A_66  : i32 {
      %parallel_loop3A_309 = arith.constant 3 : i32
      %parallel_loop3A_310 = arith.muli %parallel_loop3A_309, %parallel_loop3A_308 : i32
      %parallel_loop3A_311 = arith.constant 0 : i32
      %parallel_loop3A_312 = arith.addi %parallel_loop3A_310, %parallel_loop3A_311 : i32
      %parallel_loop3A_313 = arith.index_cast %parallel_loop3A_312 : i32 to index
      %parallel_loop3A_314 = arith.constant 0 : index
      %parallel_loop3A_315 = tpu.vector_load %arg6[%parallel_loop3A_313, %parallel_loop3A_314] {strides = array<i32>} : memref<384x128xf32, #tpu.memory_space<vmem>>, vector<1x16xf32>,
      %parallel_loop3A_316 = vector.shape_cast %parallel_loop3A_315 : vector<1x16xf32> to vector<16xf32>
      %parallel_loop3A_317 = arith.index_cast %parallel_loop3A_308 : i32 to index
      %parallel_loop3A_318 = arith.constant 0 : index
      %parallel_loop3A_319 = tpu.vector_load %arg7[%parallel_loop3A_317, %parallel_loop3A_318] {strides = array<i32>} : memref<128x192xf32, #tpu.memory_space<vmem>>, vector<1x16xf32>,
      %parallel_loop3A_320 = vector.shape_cast %parallel_loop3A_319 : vector<1x16xf32> to vector<16xf32>
      %parallel_loop3A_321 = vector.shape_cast %parallel_loop3A_316 : vector<16xf32> to vector<1x16xf32>
      tpu.vector_store %arg7[%parallel_loop3A_317, %parallel_loop3A_318], %parallel_loop3A_321 {strides = array<i32>} : memref<128x192xf32, #tpu.memory_space<vmem>>, vector<1x16xf32>,
      %parallel_loop3A_322 = arith.constant 3 : i32
      %parallel_loop3A_323 = arith.muli %parallel_loop3A_322, %parallel_loop3A_308 : i32
      %parallel_loop3A_324 = arith.constant 0 : i32
      %parallel_loop3A_325 = arith.addi %parallel_loop3A_323, %parallel_loop3A_324 : i32
      %parallel_loop3A_326 = arith.index_cast %parallel_loop3A_325 : i32 to index
      %parallel_loop3A_327 = arith.constant 16 : index
      %parallel_loop3A_328 = tpu.vector_load %arg6[%parallel_loop3A_326, %parallel_loop3A_327] {strides = array<i32>} : memref<384x128xf32, #tpu.memory_space<vmem>>, vector<1x16xf32>,
      %parallel_loop3A_329 = vector.shape_cast %parallel_loop3A_328 : vector<1x16xf32> to vector<16xf32>
      %parallel_loop3A_330 = arith.index_cast %parallel_loop3A_308 : i32 to index
      %parallel_loop3A_331 = arith.constant 16 : index
      %parallel_loop3A_332 = tpu.vector_load %arg7[%parallel_loop3A_330, %parallel_loop3A_331] {strides = array<i32>} : memref<128x192xf32, #tpu.memory_space<vmem>>, vector<1x16xf32>,
      %parallel_loop3A_333 = vector.shape_cast %parallel_loop3A_332 : vector<1x16xf32> to vector<16xf32>
      %parallel_loop3A_334 = vector.shape_cast %parallel_loop3A_329 : vector<16xf32> to vector<1x16xf32>
      tpu.vector_store %arg7[%parallel_loop3A_330, %parallel_loop3A_331], %parallel_loop3A_334 {strides = array<i32>} : memref<128x192xf32, #tpu.memory_space<vmem>>, vector<1x16xf32>,
      %parallel_loop3A_335 = arith.constant 3 : i32
      %parallel_loop3A_336 = arith.muli %parallel_loop3A_335, %parallel_loop3A_308 : i32
      %parallel_loop3A_337 = arith.constant 0 : i32
      %parallel_loop3A_338 = arith.addi %parallel_loop3A_336, %parallel_loop3A_337 : i32
      %parallel_loop3A_339 = arith.index_cast %parallel_loop3A_338 : i32 to index
      %parallel_loop3A_340 = arith.constant 32 : index
      %parallel_loop3A_341 = tpu.vector_load %arg6[%parallel_loop3A_339, %parallel_loop3A_340] {strides = array<i32>} : memref<384x128xf32, #tpu.memory_space<vmem>>, vector<1x16xf32>,
      %parallel_loop3A_342 = vector.shape_cast %parallel_loop3A_341 : vector<1x16xf32> to vector<16xf32>
      %parallel_loop3A_343 = arith.index_cast %parallel_loop3A_308 : i32 to index
      %parallel_loop3A_344 = arith.constant 32 : index
      %parallel_loop3A_345 = tpu.vector_load %arg7[%parallel_loop3A_343, %parallel_loop3A_344] {strides = array<i32>} : memref<128x192xf32, #tpu.memory_space<vmem>>, vector<1x16xf32>,
      %parallel_loop3A_346 = vector.shape_cast %parallel_loop3A_345 : vector<1x16xf32> to vector<16xf32>
      %parallel_loop3A_347 = vector.shape_cast %parallel_loop3A_342 : vector<16xf32> to vector<1x16xf32>
      tpu.vector_store %arg7[%parallel_loop3A_343, %parallel_loop3A_344], %parallel_loop3A_347 {strides = array<i32>} : memref<128x192xf32, #tpu.memory_space<vmem>>, vector<1x16xf32>,
      %parallel_loop3A_348 = arith.constant 3 : i32
      %parallel_loop3A_349 = arith.muli %parallel_loop3A_348, %parallel_loop3A_308 : i32
      %parallel_loop3A_350 = arith.constant 0 : i32
      %parallel_loop3A_351 = arith.addi %parallel_loop3A_349, %parallel_loop3A_350 : i32
      %parallel_loop3A_352 = arith.index_cast %parallel_loop3A_351 : i32 to index
      %parallel_loop3A_353 = arith.constant 48 : index
      %parallel_loop3A_354 = tpu.vector_load %arg6[%parallel_loop3A_352, %parallel_loop3A_353] {strides = array<i32>} : memref<384x128xf32, #tpu.memory_space<vmem>>, vector<1x16xf32>,
      %parallel_loop3A_355 = vector.shape_cast %parallel_loop3A_354 : vector<1x16xf32> to vector<16xf32>
      %parallel_loop3A_356 = arith.index_cast %parallel_loop3A_308 : i32 to index
      %parallel_loop3A_357 = arith.constant 48 : index
      %parallel_loop3A_358 = tpu.vector_load %arg7[%parallel_loop3A_356, %parallel_loop3A_357] {strides = array<i32>} : memref<128x192xf32, #tpu.memory_space<vmem>>, vector<1x16xf32>,
      %parallel_loop3A_359 = vector.shape_cast %parallel_loop3A_358 : vector<1x16xf32> to vector<16xf32>
      %parallel_loop3A_360 = vector.shape_cast %parallel_loop3A_355 : vector<16xf32> to vector<1x16xf32>
      tpu.vector_store %arg7[%parallel_loop3A_356, %parallel_loop3A_357], %parallel_loop3A_360 {strides = array<i32>} : memref<128x192xf32, #tpu.memory_space<vmem>>, vector<1x16xf32>,
      %parallel_loop3A_361 = arith.constant 3 : i32
      %parallel_loop3A_362 = arith.muli %parallel_loop3A_361, %parallel_loop3A_308 : i32
      %parallel_loop3A_363 = arith.constant 1 : i32
      %parallel_loop3A_364 = arith.addi %parallel_loop3A_362, %parallel_loop3A_363 : i32
      %parallel_loop3A_365 = arith.index_cast %parallel_loop3A_364 : i32 to index
      %parallel_loop3A_366 = arith.constant 0 : index
      %parallel_loop3A_367 = tpu.vector_load %arg6[%parallel_loop3A_365, %parallel_loop3A_366] {strides = array<i32>} : memref<384x128xf32, #tpu.memory_space<vmem>>, vector<1x16xf32>,
      %parallel_loop3A_368 = vector.shape_cast %parallel_loop3A_367 : vector<1x16xf32> to vector<16xf32>
      %parallel_loop3A_369 = arith.index_cast %parallel_loop3A_308 : i32 to index
      %parallel_loop3A_370 = arith.constant 64 : index
      %parallel_loop3A_371 = tpu.vector_load %arg7[%parallel_loop3A_369, %parallel_loop3A_370] {strides = array<i32>} : memref<128x192xf32, #tpu.memory_space<vmem>>, vector<1x16xf32>,
      %parallel_loop3A_372 = vector.shape_cast %parallel_loop3A_371 : vector<1x16xf32> to vector<16xf32>
      %parallel_loop3A_373 = vector.shape_cast %parallel_loop3A_368 : vector<16xf32> to vector<1x16xf32>
      tpu.vector_store %arg7[%parallel_loop3A_369, %parallel_loop3A_370], %parallel_loop3A_373 {strides = array<i32>} : memref<128x192xf32, #tpu.memory_space<vmem>>, vector<1x16xf32>,
      %parallel_loop3A_374 = arith.constant 3 : i32
      %parallel_loop3A_375 = arith.muli %parallel_loop3A_374, %parallel_loop3A_308 : i32
      %parallel_loop3A_376 = arith.constant 1 : i32
      %parallel_loop3A_377 = arith.addi %parallel_loop3A_375, %parallel_loop3A_376 : i32
      %parallel_loop3A_378 = arith.index_cast %parallel_loop3A_377 : i32 to index
      %parallel_loop3A_379 = arith.constant 16 : index
      %parallel_loop3A_380 = tpu.vector_load %arg6[%parallel_loop3A_378, %parallel_loop3A_379] {strides = array<i32>} : memref<384x128xf32, #tpu.memory_space<vmem>>, vector<1x16xf32>,
      %parallel_loop3A_381 = vector.shape_cast %parallel_loop3A_380 : vector<1x16xf32> to vector<16xf32>
      %parallel_loop3A_382 = arith.index_cast %parallel_loop3A_308 : i32 to index
      %parallel_loop3A_383 = arith.constant 80 : index
      %parallel_loop3A_384 = tpu.vector_load %arg7[%parallel_loop3A_382, %parallel_loop3A_383] {strides = array<i32>} : memref<128x192xf32, #tpu.memory_space<vmem>>, vector<1x16xf32>,
      %parallel_loop3A_385 = vector.shape_cast %parallel_loop3A_384 : vector<1x16xf32> to vector<16xf32>
      %parallel_loop3A_386 = vector.shape_cast %parallel_loop3A_381 : vector<16xf32> to vector<1x16xf32>
      tpu.vector_store %arg7[%parallel_loop3A_382, %parallel_loop3A_383], %parallel_loop3A_386 {strides = array<i32>} : memref<128x192xf32, #tpu.memory_space<vmem>>, vector<1x16xf32>,
      %parallel_loop3A_387 = arith.constant 3 : i32
      %parallel_loop3A_388 = arith.muli %parallel_loop3A_387, %parallel_loop3A_308 : i32
      %parallel_loop3A_389 = arith.constant 1 : i32
      %parallel_loop3A_390 = arith.addi %parallel_loop3A_388, %parallel_loop3A_389 : i32
      %parallel_loop3A_391 = arith.index_cast %parallel_loop3A_390 : i32 to index
      %parallel_loop3A_392 = arith.constant 32 : index
      %parallel_loop3A_393 = tpu.vector_load %arg6[%parallel_loop3A_391, %parallel_loop3A_392] {strides = array<i32>} : memref<384x128xf32, #tpu.memory_space<vmem>>, vector<1x16xf32>,
      %parallel_loop3A_394 = vector.shape_cast %parallel_loop3A_393 : vector<1x16xf32> to vector<16xf32>
      %parallel_loop3A_395 = arith.index_cast %parallel_loop3A_308 : i32 to index
      %parallel_loop3A_396 = arith.constant 96 : index
      %parallel_loop3A_397 = tpu.vector_load %arg7[%parallel_loop3A_395, %parallel_loop3A_396] {strides = array<i32>} : memref<128x192xf32, #tpu.memory_space<vmem>>, vector<1x16xf32>,
      %parallel_loop3A_398 = vector.shape_cast %parallel_loop3A_397 : vector<1x16xf32> to vector<16xf32>
      %parallel_loop3A_399 = vector.shape_cast %parallel_loop3A_394 : vector<16xf32> to vector<1x16xf32>
      tpu.vector_store %arg7[%parallel_loop3A_395, %parallel_loop3A_396], %parallel_loop3A_399 {strides = array<i32>} : memref<128x192xf32, #tpu.memory_space<vmem>>, vector<1x16xf32>,
      %parallel_loop3A_400 = arith.constant 3 : i32
      %parallel_loop3A_401 = arith.muli %parallel_loop3A_400, %parallel_loop3A_308 : i32
      %parallel_loop3A_402 = arith.constant 1 : i32
      %parallel_loop3A_403 = arith.addi %parallel_loop3A_401, %parallel_loop3A_402 : i32
      %parallel_loop3A_404 = arith.index_cast %parallel_loop3A_403 : i32 to index
      %parallel_loop3A_405 = arith.constant 48 : index
      %parallel_loop3A_406 = tpu.vector_load %arg6[%parallel_loop3A_404, %parallel_loop3A_405] {strides = array<i32>} : memref<384x128xf32, #tpu.memory_space<vmem>>, vector<1x16xf32>,
      %parallel_loop3A_407 = vector.shape_cast %parallel_loop3A_406 : vector<1x16xf32> to vector<16xf32>
      %parallel_loop3A_408 = arith.index_cast %parallel_loop3A_308 : i32 to index
      %parallel_loop3A_409 = arith.constant 112 : index
      %parallel_loop3A_410 = tpu.vector_load %arg7[%parallel_loop3A_408, %parallel_loop3A_409] {strides = array<i32>} : memref<128x192xf32, #tpu.memory_space<vmem>>, vector<1x16xf32>,
      %parallel_loop3A_411 = vector.shape_cast %parallel_loop3A_410 : vector<1x16xf32> to vector<16xf32>
      %parallel_loop3A_412 = vector.shape_cast %parallel_loop3A_407 : vector<16xf32> to vector<1x16xf32>
      tpu.vector_store %arg7[%parallel_loop3A_408, %parallel_loop3A_409], %parallel_loop3A_412 {strides = array<i32>} : memref<128x192xf32, #tpu.memory_space<vmem>>, vector<1x16xf32>,
      %parallel_loop3A_413 = arith.constant 3 : i32
      %parallel_loop3A_414 = arith.muli %parallel_loop3A_413, %parallel_loop3A_308 : i32
      %parallel_loop3A_415 = arith.constant 2 : i32
      %parallel_loop3A_416 = arith.addi %parallel_loop3A_414, %parallel_loop3A_415 : i32
      %parallel_loop3A_417 = arith.index_cast %parallel_loop3A_416 : i32 to index
      %parallel_loop3A_418 = arith.constant 0 : index
      %parallel_loop3A_419 = tpu.vector_load %arg6[%parallel_loop3A_417, %parallel_loop3A_418] {strides = array<i32>} : memref<384x128xf32, #tpu.memory_space<vmem>>, vector<1x16xf32>,
      %parallel_loop3A_420 = vector.shape_cast %parallel_loop3A_419 : vector<1x16xf32> to vector<16xf32>
      %parallel_loop3A_421 = arith.index_cast %parallel_loop3A_308 : i32 to index
      %parallel_loop3A_422 = arith.constant 128 : index
      %parallel_loop3A_423 = tpu.vector_load %arg7[%parallel_loop3A_421, %parallel_loop3A_422] {strides = array<i32>} : memref<128x192xf32, #tpu.memory_space<vmem>>, vector<1x16xf32>,
      %parallel_loop3A_424 = vector.shape_cast %parallel_loop3A_423 : vector<1x16xf32> to vector<16xf32>
      %parallel_loop3A_425 = vector.shape_cast %parallel_loop3A_420 : vector<16xf32> to vector<1x16xf32>
      tpu.vector_store %arg7[%parallel_loop3A_421, %parallel_loop3A_422], %parallel_loop3A_425 {strides = array<i32>} : memref<128x192xf32, #tpu.memory_space<vmem>>, vector<1x16xf32>,
      %parallel_loop3A_426 = arith.constant 3 : i32
      %parallel_loop3A_427 = arith.muli %parallel_loop3A_426, %parallel_loop3A_308 : i32
      %parallel_loop3A_428 = arith.constant 2 : i32
      %parallel_loop3A_429 = arith.addi %parallel_loop3A_427, %parallel_loop3A_428 : i32
      %parallel_loop3A_430 = arith.index_cast %parallel_loop3A_429 : i32 to index
      %parallel_loop3A_431 = arith.constant 16 : index
      %parallel_loop3A_432 = tpu.vector_load %arg6[%parallel_loop3A_430, %parallel_loop3A_431] {strides = array<i32>} : memref<384x128xf32, #tpu.memory_space<vmem>>, vector<1x16xf32>,
      %parallel_loop3A_433 = vector.shape_cast %parallel_loop3A_432 : vector<1x16xf32> to vector<16xf32>
      %parallel_loop3A_434 = arith.index_cast %parallel_loop3A_308 : i32 to index
      %parallel_loop3A_435 = arith.constant 144 : index
      %parallel_loop3A_436 = tpu.vector_load %arg7[%parallel_loop3A_434, %parallel_loop3A_435] {strides = array<i32>} : memref<128x192xf32, #tpu.memory_space<vmem>>, vector<1x16xf32>,
      %parallel_loop3A_437 = vector.shape_cast %parallel_loop3A_436 : vector<1x16xf32> to vector<16xf32>
      %parallel_loop3A_438 = vector.shape_cast %parallel_loop3A_433 : vector<16xf32> to vector<1x16xf32>
      tpu.vector_store %arg7[%parallel_loop3A_434, %parallel_loop3A_435], %parallel_loop3A_438 {strides = array<i32>} : memref<128x192xf32, #tpu.memory_space<vmem>>, vector<1x16xf32>,
      %parallel_loop3A_439 = arith.constant 3 : i32
      %parallel_loop3A_440 = arith.muli %parallel_loop3A_439, %parallel_loop3A_308 : i32
      %parallel_loop3A_441 = arith.constant 2 : i32
      %parallel_loop3A_442 = arith.addi %parallel_loop3A_440, %parallel_loop3A_441 : i32
      %parallel_loop3A_443 = arith.index_cast %parallel_loop3A_442 : i32 to index
      %parallel_loop3A_444 = arith.constant 32 : index
      %parallel_loop3A_445 = tpu.vector_load %arg6[%parallel_loop3A_443, %parallel_loop3A_444] {strides = array<i32>} : memref<384x128xf32, #tpu.memory_space<vmem>>, vector<1x16xf32>,
      %parallel_loop3A_446 = vector.shape_cast %parallel_loop3A_445 : vector<1x16xf32> to vector<16xf32>
      %parallel_loop3A_447 = arith.index_cast %parallel_loop3A_308 : i32 to index
      %parallel_loop3A_448 = arith.constant 160 : index
      %parallel_loop3A_449 = tpu.vector_load %arg7[%parallel_loop3A_447, %parallel_loop3A_448] {strides = array<i32>} : memref<128x192xf32, #tpu.memory_space<vmem>>, vector<1x16xf32>,
      %parallel_loop3A_450 = vector.shape_cast %parallel_loop3A_449 : vector<1x16xf32> to vector<16xf32>
      %parallel_loop3A_451 = vector.shape_cast %parallel_loop3A_446 : vector<16xf32> to vector<1x16xf32>
      tpu.vector_store %arg7[%parallel_loop3A_447, %parallel_loop3A_448], %parallel_loop3A_451 {strides = array<i32>} : memref<128x192xf32, #tpu.memory_space<vmem>>, vector<1x16xf32>,
      %parallel_loop3A_452 = arith.constant 3 : i32
      %parallel_loop3A_453 = arith.muli %parallel_loop3A_452, %parallel_loop3A_308 : i32
      %parallel_loop3A_454 = arith.constant 2 : i32
      %parallel_loop3A_455 = arith.addi %parallel_loop3A_453, %parallel_loop3A_454 : i32
      %parallel_loop3A_456 = arith.index_cast %parallel_loop3A_455 : i32 to index
      %parallel_loop3A_457 = arith.constant 48 : index
      %parallel_loop3A_458 = tpu.vector_load %arg6[%parallel_loop3A_456, %parallel_loop3A_457] {strides = array<i32>} : memref<384x128xf32, #tpu.memory_space<vmem>>, vector<1x16xf32>,
      %parallel_loop3A_459 = vector.shape_cast %parallel_loop3A_458 : vector<1x16xf32> to vector<16xf32>
      %parallel_loop3A_460 = arith.index_cast %parallel_loop3A_308 : i32 to index
      %parallel_loop3A_461 = arith.constant 176 : index
      %parallel_loop3A_462 = tpu.vector_load %arg7[%parallel_loop3A_460, %parallel_loop3A_461] {strides = array<i32>} : memref<128x192xf32, #tpu.memory_space<vmem>>, vector<1x16xf32>,
      %parallel_loop3A_463 = vector.shape_cast %parallel_loop3A_462 : vector<1x16xf32> to vector<16xf32>
      %parallel_loop3A_464 = vector.shape_cast %parallel_loop3A_459 : vector<16xf32> to vector<1x16xf32>
      tpu.vector_store %arg7[%parallel_loop3A_460, %parallel_loop3A_461], %parallel_loop3A_464 {strides = array<i32>} : memref<128x192xf32, #tpu.memory_space<vmem>>, vector<1x16xf32>,
    } {sc.loop_unroll_factor = 1 : i64, sc.parallel_access}
    %add3A_67 = arith.constant 0 : i32
    %add3A_68 = arith.addi %mul3A_2, %add3A_67 : i32
    %dma_start3A_69 = arith.constant 0 : i32
    %dma_start3A_70 = tpu.memref_slice %arg4[%add3A_68, %dma_start3A_69] : memref<16384x192xf32, #tpu.memory_space<hbm>> -> memref<128x192xf32, #tpu.memory_space<hbm>>
    %dma_start3A_71 = arith.constant 0 : i32
    %dma_start3A_72 = tpu.memref_slice %arg4[%add3A_68, %dma_start3A_71] : memref<16384x192xf32, #tpu.memory_space<hbm>> -> memref<128x192xf32, #tpu.memory_space<hbm>>
    tpu.enqueue_dma source(%arg7 : memref<128x192xf32, #tpu.memory_space<vmem>>) target(%dma_start3A_72 : memref<128x192xf32, #tpu.memory_space<hbm>>) target_semaphore(%arg9 : memref<!tpu.dma_semaphore, #tpu.memory_space<semaphore_mem>>)
    %mul3A_73 = arith.constant 4 : i32
    %mul3A_74 = arith.muli %add3A, %mul3A_73 : i32
    %add3A_75 = arith.constant 1 : i32
    %add3A_76 = arith.addi %mul3A_74, %add3A_75 : i32
    "tpu.region"() ({
      %run_scoped3A = tpu.sem_alloc : memref<!tpu.dma_semaphore, #tpu.memory_space<semaphore_mem>>
      %dma_start3A_308 = arith.constant 0 : i32
      %dma_start3A_309 = arith.constant 0 : i32
      %dma_start3A_310 = tpu.memref_slice %arg2[%add3A_76, %dma_start3A_308, %dma_start3A_309] : memref<128x3x128xi32, #tpu.memory_space<hbm>> -> memref<1x3x128xi32, #tpu.memory_space<hbm>>
      %dma_start3A_311 = tpu.memref_squeeze %dma_start3A_310 : memref<1x3x128xi32, #tpu.memory_space<hbm>> -> memref<3x128xi32, #tpu.memory_space<hbm>>
      %dma_start3A_312 = arith.constant 0 : i32
      %dma_start3A_313 = arith.constant 0 : i32
      %dma_start3A_314 = tpu.memref_slice %arg2[%add3A_76, %dma_start3A_312, %dma_start3A_313] : memref<128x3x128xi32, #tpu.memory_space<hbm>> -> memref<1x3x128xi32, #tpu.memory_space<hbm>>
      %dma_start3A_315 = tpu.memref_squeeze %dma_start3A_314 : memref<1x3x128xi32, #tpu.memory_space<hbm>> -> memref<3x128xi32, #tpu.memory_space<hbm>>
      tpu.enqueue_dma source(%dma_start3A_315 : memref<3x128xi32, #tpu.memory_space<hbm>>) target(%arg5 : memref<3x128xi32, #tpu.memory_space<vmem>>) target_semaphore(%run_scoped3A : memref<!tpu.dma_semaphore, #tpu.memory_space<semaphore_mem>>)
      %dma_wait3A_316 = arith.constant 0 : i32
      %dma_wait3A_317 = arith.constant 0 : i32
      %dma_wait3A_318 = tpu.memref_slice %arg2[%add3A_76, %dma_wait3A_316, %dma_wait3A_317] : memref<128x3x128xi32, #tpu.memory_space<hbm>> -> memref<1x3x128xi32, #tpu.memory_space<hbm>>
      %dma_wait3A_319 = tpu.memref_squeeze %dma_wait3A_318 : memref<1x3x128xi32, #tpu.memory_space<hbm>> -> memref<3x128xi32, #tpu.memory_space<hbm>>
      %dma_wait3A_320 = arith.constant 0 : i32
      %dma_wait3A_321 = arith.constant 0 : i32
      %dma_wait3A_322 = tpu.memref_slice %arg2[%add3A_76, %dma_wait3A_320, %dma_wait3A_321] : memref<128x3x128xi32, #tpu.memory_space<hbm>> -> memref<1x3x128xi32, #tpu.memory_space<hbm>>
      %dma_wait3A_323 = tpu.memref_squeeze %dma_wait3A_322 : memref<1x3x128xi32, #tpu.memory_space<hbm>> -> memref<3x128xi32, #tpu.memory_space<hbm>>
      tpu.wait_dma2 semaphore(%run_scoped3A : memref<!tpu.dma_semaphore, #tpu.memory_space<semaphore_mem>>) src(%dma_wait3A_323 : memref<3x128xi32, #tpu.memory_space<hbm>>) dst(%arg5 : memref<3x128xi32, #tpu.memory_space<vmem>>)
      tpu.yield
    }) : () -> ()
    %dma_start3A_77 = arith.constant 0 : i32
    %dma_start3A_78 = arith.constant 0 : i32
    %dma_start3A_79 = arith.constant 0 : i32
    %dma_start3A_80 = tpu.memref_slice %arg6[%dma_start3A_78, %dma_start3A_79] : memref<384x128xf32, #tpu.memory_space<vmem>> -> memref<128x128xf32, #tpu.memory_space<vmem>>
    %dma_start3A_81 = arith.constant 0 : i32
    %dma_start3A_82 = tpu.memref_slice %arg5[%dma_start3A_77, %dma_start3A_81] : memref<3x128xi32, #tpu.memory_space<vmem>> -> memref<1x128xi32, #tpu.memory_space<vmem>>
    %dma_start3A_83 = tpu.memref_squeeze %dma_start3A_82 : memref<1x128xi32, #tpu.memory_space<vmem>> -> memref<128xi32, #tpu.memory_space<vmem>>
    %dma_start3A_84 = arith.constant 0 : i32
    %dma_start3A_85 = arith.constant 0 : i32
    %dma_start3A_86 = tpu.memref_slice %arg3[%dma_start3A_84, %dma_start3A_85] : memref<2304x128xf32, #tpu.memory_space<hbm>> -> memref<2304x128xf32, #tpu.memory_space<hbm>>
    tpu.enqueue_indirect_dma source(%dma_start3A_86 : memref<2304x128xf32, #tpu.memory_space<hbm>>) target(%dma_start3A_80 : memref<128x128xf32, #tpu.memory_space<vmem>>) offsets(%dma_start3A_83 : memref<128xi32, #tpu.memory_space<vmem>>) semaphore(%arg8 : memref<!tpu.dma_semaphore, #tpu.memory_space<semaphore_mem>>)
    %dma_start3A_87 = arith.constant 1 : i32
    %dma_start3A_88 = arith.constant 128 : i32
    %dma_start3A_89 = arith.constant 0 : i32
    %dma_start3A_90 = tpu.memref_slice %arg6[%dma_start3A_88, %dma_start3A_89] : memref<384x128xf32, #tpu.memory_space<vmem>> -> memref<128x128xf32, #tpu.memory_space<vmem>>
    %dma_start3A_91 = arith.constant 0 : i32
    %dma_start3A_92 = tpu.memref_slice %arg5[%dma_start3A_87, %dma_start3A_91] : memref<3x128xi32, #tpu.memory_space<vmem>> -> memref<1x128xi32, #tpu.memory_space<vmem>>
    %dma_start3A_93 = tpu.memref_squeeze %dma_start3A_92 : memref<1x128xi32, #tpu.memory_space<vmem>> -> memref<128xi32, #tpu.memory_space<vmem>>
    %dma_start3A_94 = arith.constant 0 : i32
    %dma_start3A_95 = arith.constant 0 : i32
    %dma_start3A_96 = tpu.memref_slice %arg3[%dma_start3A_94, %dma_start3A_95] : memref<2304x128xf32, #tpu.memory_space<hbm>> -> memref<2304x128xf32, #tpu.memory_space<hbm>>
    tpu.enqueue_indirect_dma source(%dma_start3A_96 : memref<2304x128xf32, #tpu.memory_space<hbm>>) target(%dma_start3A_90 : memref<128x128xf32, #tpu.memory_space<vmem>>) offsets(%dma_start3A_93 : memref<128xi32, #tpu.memory_space<vmem>>) semaphore(%arg8 : memref<!tpu.dma_semaphore, #tpu.memory_space<semaphore_mem>>)
    %dma_start3A_97 = arith.constant 2 : i32
    %dma_start3A_98 = arith.constant 256 : i32
    %dma_start3A_99 = arith.constant 0 : i32
    %dma_start3A_100 = tpu.memref_slice %arg6[%dma_start3A_98, %dma_start3A_99] : memref<384x128xf32, #tpu.memory_space<vmem>> -> memref<128x128xf32, #tpu.memory_space<vmem>>
    %dma_start3A_101 = arith.constant 0 : i32
    %dma_start3A_102 = tpu.memref_slice %arg5[%dma_start3A_97, %dma_start3A_101] : memref<3x128xi32, #tpu.memory_space<vmem>> -> memref<1x128xi32, #tpu.memory_space<vmem>>
    %dma_start3A_103 = tpu.memref_squeeze %dma_start3A_102 : memref<1x128xi32, #tpu.memory_space<vmem>> -> memref<128xi32, #tpu.memory_space<vmem>>
    %dma_start3A_104 = arith.constant 0 : i32
    %dma_start3A_105 = arith.constant 0 : i32
    %dma_start3A_106 = tpu.memref_slice %arg3[%dma_start3A_104, %dma_start3A_105] : memref<2304x128xf32, #tpu.memory_space<hbm>> -> memref<2304x128xf32, #tpu.memory_space<hbm>>
    tpu.enqueue_indirect_dma source(%dma_start3A_106 : memref<2304x128xf32, #tpu.memory_space<hbm>>) target(%dma_start3A_100 : memref<128x128xf32, #tpu.memory_space<vmem>>) offsets(%dma_start3A_103 : memref<128xi32, #tpu.memory_space<vmem>>) semaphore(%arg8 : memref<!tpu.dma_semaphore, #tpu.memory_space<semaphore_mem>>)
    %dma_wait3A_107 = arith.constant 0 : i32
    %dma_wait3A_108 = arith.constant 0 : i32
    %dma_wait3A_109 = arith.constant 0 : i32
    %dma_wait3A_110 = tpu.memref_slice %arg6[%dma_wait3A_108, %dma_wait3A_109] : memref<384x128xf32, #tpu.memory_space<vmem>> -> memref<128x128xf32, #tpu.memory_space<vmem>>
    %dma_wait3A_111 = arith.constant 0 : i32
    %dma_wait3A_112 = tpu.memref_slice %arg5[%dma_wait3A_107, %dma_wait3A_111] : memref<3x128xi32, #tpu.memory_space<vmem>> -> memref<1x128xi32, #tpu.memory_space<vmem>>
    %dma_wait3A_113 = tpu.memref_squeeze %dma_wait3A_112 : memref<1x128xi32, #tpu.memory_space<vmem>> -> memref<128xi32, #tpu.memory_space<vmem>>
    %dma_wait3A_114 = arith.constant 0 : i32
    %dma_wait3A_115 = arith.constant 0 : i32
    %dma_wait3A_116 = tpu.memref_slice %arg3[%dma_wait3A_114, %dma_wait3A_115] : memref<2304x128xf32, #tpu.memory_space<hbm>> -> memref<2304x128xf32, #tpu.memory_space<hbm>>
    tpu.wait_indirect_dma semaphore(%arg8 : memref<!tpu.dma_semaphore, #tpu.memory_space<semaphore_mem>>) src(%dma_wait3A_116 : memref<2304x128xf32, #tpu.memory_space<hbm>>) dst(%dma_wait3A_110 : memref<128x128xf32, #tpu.memory_space<vmem>>)
    %dma_wait3A_117 = arith.constant 1 : i32
    %dma_wait3A_118 = arith.constant 128 : i32
    %dma_wait3A_119 = arith.constant 0 : i32
    %dma_wait3A_120 = tpu.memref_slice %arg6[%dma_wait3A_118, %dma_wait3A_119] : memref<384x128xf32, #tpu.memory_space<vmem>> -> memref<128x128xf32, #tpu.memory_space<vmem>>
    %dma_wait3A_121 = arith.constant 0 : i32
    %dma_wait3A_122 = tpu.memref_slice %arg5[%dma_wait3A_117, %dma_wait3A_121] : memref<3x128xi32, #tpu.memory_space<vmem>> -> memref<1x128xi32, #tpu.memory_space<vmem>>
    %dma_wait3A_123 = tpu.memref_squeeze %dma_wait3A_122 : memref<1x128xi32, #tpu.memory_space<vmem>> -> memref<128xi32, #tpu.memory_space<vmem>>
    %dma_wait3A_124 = arith.constant 0 : i32
    %dma_wait3A_125 = arith.constant 0 : i32
    %dma_wait3A_126 = tpu.memref_slice %arg3[%dma_wait3A_124, %dma_wait3A_125] : memref<2304x128xf32, #tpu.memory_space<hbm>> -> memref<2304x128xf32, #tpu.memory_space<hbm>>
    tpu.wait_indirect_dma semaphore(%arg8 : memref<!tpu.dma_semaphore, #tpu.memory_space<semaphore_mem>>) src(%dma_wait3A_126 : memref<2304x128xf32, #tpu.memory_space<hbm>>) dst(%dma_wait3A_120 : memref<128x128xf32, #tpu.memory_space<vmem>>)
    %dma_wait3A_127 = arith.constant 2 : i32
    %dma_wait3A_128 = arith.constant 256 : i32
    %dma_wait3A_129 = arith.constant 0 : i32
    %dma_wait3A_130 = tpu.memref_slice %arg6[%dma_wait3A_128, %dma_wait3A_129] : memref<384x128xf32, #tpu.memory_space<vmem>> -> memref<128x128xf32, #tpu.memory_space<vmem>>
    %dma_wait3A_131 = arith.constant 0 : i32
    %dma_wait3A_132 = tpu.memref_slice %arg5[%dma_wait3A_127, %dma_wait3A_131] : memref<3x128xi32, #tpu.memory_space<vmem>> -> memref<1x128xi32, #tpu.memory_space<vmem>>
    %dma_wait3A_133 = tpu.memref_squeeze %dma_wait3A_132 : memref<1x128xi32, #tpu.memory_space<vmem>> -> memref<128xi32, #tpu.memory_space<vmem>>
    %dma_wait3A_134 = arith.constant 0 : i32
    %dma_wait3A_135 = arith.constant 0 : i32
    %dma_wait3A_136 = tpu.memref_slice %arg3[%dma_wait3A_134, %dma_wait3A_135] : memref<2304x128xf32, #tpu.memory_space<hbm>> -> memref<2304x128xf32, #tpu.memory_space<hbm>>
    tpu.wait_indirect_dma semaphore(%arg8 : memref<!tpu.dma_semaphore, #tpu.memory_space<semaphore_mem>>) src(%dma_wait3A_136 : memref<2304x128xf32, #tpu.memory_space<hbm>>) dst(%dma_wait3A_130 : memref<128x128xf32, #tpu.memory_space<vmem>>)
    %dma_wait3A_137 = arith.constant 0 : i32
    %dma_wait3A_138 = tpu.memref_slice %arg4[%add3A_68, %dma_wait3A_137] : memref<16384x192xf32, #tpu.memory_space<hbm>> -> memref<128x192xf32, #tpu.memory_space<hbm>>
    %dma_wait3A_139 = arith.constant 0 : i32
    %dma_wait3A_140 = tpu.memref_slice %arg4[%add3A_68, %dma_wait3A_139] : memref<16384x192xf32, #tpu.memory_space<hbm>> -> memref<128x192xf32, #tpu.memory_space<hbm>>
    tpu.wait_dma2 semaphore(%arg9 : memref<!tpu.dma_semaphore, #tpu.memory_space<semaphore_mem>>) src(%arg7 : memref<128x192xf32, #tpu.memory_space<vmem>>) dst(%dma_wait3A_140 : memref<128x192xf32, #tpu.memory_space<hbm>>)
    %parallel_loop3A_141 = arith.constant 0 : i32
    %parallel_loop3A_142 = arith.constant 128 : i32
    %parallel_loop3A_143 = arith.constant 1 : i32
    scf.for %parallel_loop3A_308 = %parallel_loop3A_141 to %parallel_loop3A_142 step %parallel_loop3A_143  : i32 {
      %parallel_loop3A_309 = arith.constant 3 : i32
      %parallel_loop3A_310 = arith.muli %parallel_loop3A_309, %parallel_loop3A_308 : i32
      %parallel_loop3A_311 = arith.constant 0 : i32
      %parallel_loop3A_312 = arith.addi %parallel_loop3A_310, %parallel_loop3A_311 : i32
      %parallel_loop3A_313 = arith.index_cast %parallel_loop3A_312 : i32 to index
      %parallel_loop3A_314 = arith.constant 0 : index
      %parallel_loop3A_315 = tpu.vector_load %arg6[%parallel_loop3A_313, %parallel_loop3A_314] {strides = array<i32>} : memref<384x128xf32, #tpu.memory_space<vmem>>, vector<1x16xf32>,
      %parallel_loop3A_316 = vector.shape_cast %parallel_loop3A_315 : vector<1x16xf32> to vector<16xf32>
      %parallel_loop3A_317 = arith.index_cast %parallel_loop3A_308 : i32 to index
      %parallel_loop3A_318 = arith.constant 0 : index
      %parallel_loop3A_319 = tpu.vector_load %arg7[%parallel_loop3A_317, %parallel_loop3A_318] {strides = array<i32>} : memref<128x192xf32, #tpu.memory_space<vmem>>, vector<1x16xf32>,
      %parallel_loop3A_320 = vector.shape_cast %parallel_loop3A_319 : vector<1x16xf32> to vector<16xf32>
      %parallel_loop3A_321 = vector.shape_cast %parallel_loop3A_316 : vector<16xf32> to vector<1x16xf32>
      tpu.vector_store %arg7[%parallel_loop3A_317, %parallel_loop3A_318], %parallel_loop3A_321 {strides = array<i32>} : memref<128x192xf32, #tpu.memory_space<vmem>>, vector<1x16xf32>,
      %parallel_loop3A_322 = arith.constant 3 : i32
      %parallel_loop3A_323 = arith.muli %parallel_loop3A_322, %parallel_loop3A_308 : i32
      %parallel_loop3A_324 = arith.constant 0 : i32
      %parallel_loop3A_325 = arith.addi %parallel_loop3A_323, %parallel_loop3A_324 : i32
      %parallel_loop3A_326 = arith.index_cast %parallel_loop3A_325 : i32 to index
      %parallel_loop3A_327 = arith.constant 16 : index
      %parallel_loop3A_328 = tpu.vector_load %arg6[%parallel_loop3A_326, %parallel_loop3A_327] {strides = array<i32>} : memref<384x128xf32, #tpu.memory_space<vmem>>, vector<1x16xf32>,
      %parallel_loop3A_329 = vector.shape_cast %parallel_loop3A_328 : vector<1x16xf32> to vector<16xf32>
      %parallel_loop3A_330 = arith.index_cast %parallel_loop3A_308 : i32 to index
      %parallel_loop3A_331 = arith.constant 16 : index
      %parallel_loop3A_332 = tpu.vector_load %arg7[%parallel_loop3A_330, %parallel_loop3A_331] {strides = array<i32>} : memref<128x192xf32, #tpu.memory_space<vmem>>, vector<1x16xf32>,
      %parallel_loop3A_333 = vector.shape_cast %parallel_loop3A_332 : vector<1x16xf32> to vector<16xf32>
      %parallel_loop3A_334 = vector.shape_cast %parallel_loop3A_329 : vector<16xf32> to vector<1x16xf32>
      tpu.vector_store %arg7[%parallel_loop3A_330, %parallel_loop3A_331], %parallel_loop3A_334 {strides = array<i32>} : memref<128x192xf32, #tpu.memory_space<vmem>>, vector<1x16xf32>,
      %parallel_loop3A_335 = arith.constant 3 : i32
      %parallel_loop3A_336 = arith.muli %parallel_loop3A_335, %parallel_loop3A_308 : i32
      %parallel_loop3A_337 = arith.constant 0 : i32
      %parallel_loop3A_338 = arith.addi %parallel_loop3A_336, %parallel_loop3A_337 : i32
      %parallel_loop3A_339 = arith.index_cast %parallel_loop3A_338 : i32 to index
      %parallel_loop3A_340 = arith.constant 32 : index
      %parallel_loop3A_341 = tpu.vector_load %arg6[%parallel_loop3A_339, %parallel_loop3A_340] {strides = array<i32>} : memref<384x128xf32, #tpu.memory_space<vmem>>, vector<1x16xf32>,
      %parallel_loop3A_342 = vector.shape_cast %parallel_loop3A_341 : vector<1x16xf32> to vector<16xf32>
      %parallel_loop3A_343 = arith.index_cast %parallel_loop3A_308 : i32 to index
      %parallel_loop3A_344 = arith.constant 32 : index
      %parallel_loop3A_345 = tpu.vector_load %arg7[%parallel_loop3A_343, %parallel_loop3A_344] {strides = array<i32>} : memref<128x192xf32, #tpu.memory_space<vmem>>, vector<1x16xf32>,
      %parallel_loop3A_346 = vector.shape_cast %parallel_loop3A_345 : vector<1x16xf32> to vector<16xf32>
      %parallel_loop3A_347 = vector.shape_cast %parallel_loop3A_342 : vector<16xf32> to vector<1x16xf32>
      tpu.vector_store %arg7[%parallel_loop3A_343, %parallel_loop3A_344], %parallel_loop3A_347 {strides = array<i32>} : memref<128x192xf32, #tpu.memory_space<vmem>>, vector<1x16xf32>,
      %parallel_loop3A_348 = arith.constant 3 : i32
      %parallel_loop3A_349 = arith.muli %parallel_loop3A_348, %parallel_loop3A_308 : i32
      %parallel_loop3A_350 = arith.constant 0 : i32
      %parallel_loop3A_351 = arith.addi %parallel_loop3A_349, %parallel_loop3A_350 : i32
      %parallel_loop3A_352 = arith.index_cast %parallel_loop3A_351 : i32 to index
      %parallel_loop3A_353 = arith.constant 48 : index
      %parallel_loop3A_354 = tpu.vector_load %arg6[%parallel_loop3A_352, %parallel_loop3A_353] {strides = array<i32>} : memref<384x128xf32, #tpu.memory_space<vmem>>, vector<1x16xf32>,
      %parallel_loop3A_355 = vector.shape_cast %parallel_loop3A_354 : vector<1x16xf32> to vector<16xf32>
      %parallel_loop3A_356 = arith.index_cast %parallel_loop3A_308 : i32 to index
      %parallel_loop3A_357 = arith.constant 48 : index
      %parallel_loop3A_358 = tpu.vector_load %arg7[%parallel_loop3A_356, %parallel_loop3A_357] {strides = array<i32>} : memref<128x192xf32, #tpu.memory_space<vmem>>, vector<1x16xf32>,
      %parallel_loop3A_359 = vector.shape_cast %parallel_loop3A_358 : vector<1x16xf32> to vector<16xf32>
      %parallel_loop3A_360 = vector.shape_cast %parallel_loop3A_355 : vector<16xf32> to vector<1x16xf32>
      tpu.vector_store %arg7[%parallel_loop3A_356, %parallel_loop3A_357], %parallel_loop3A_360 {strides = array<i32>} : memref<128x192xf32, #tpu.memory_space<vmem>>, vector<1x16xf32>,
      %parallel_loop3A_361 = arith.constant 3 : i32
      %parallel_loop3A_362 = arith.muli %parallel_loop3A_361, %parallel_loop3A_308 : i32
      %parallel_loop3A_363 = arith.constant 1 : i32
      %parallel_loop3A_364 = arith.addi %parallel_loop3A_362, %parallel_loop3A_363 : i32
      %parallel_loop3A_365 = arith.index_cast %parallel_loop3A_364 : i32 to index
      %parallel_loop3A_366 = arith.constant 0 : index
      %parallel_loop3A_367 = tpu.vector_load %arg6[%parallel_loop3A_365, %parallel_loop3A_366] {strides = array<i32>} : memref<384x128xf32, #tpu.memory_space<vmem>>, vector<1x16xf32>,
      %parallel_loop3A_368 = vector.shape_cast %parallel_loop3A_367 : vector<1x16xf32> to vector<16xf32>
      %parallel_loop3A_369 = arith.index_cast %parallel_loop3A_308 : i32 to index
      %parallel_loop3A_370 = arith.constant 64 : index
      %parallel_loop3A_371 = tpu.vector_load %arg7[%parallel_loop3A_369, %parallel_loop3A_370] {strides = array<i32>} : memref<128x192xf32, #tpu.memory_space<vmem>>, vector<1x16xf32>,
      %parallel_loop3A_372 = vector.shape_cast %parallel_loop3A_371 : vector<1x16xf32> to vector<16xf32>
      %parallel_loop3A_373 = vector.shape_cast %parallel_loop3A_368 : vector<16xf32> to vector<1x16xf32>
      tpu.vector_store %arg7[%parallel_loop3A_369, %parallel_loop3A_370], %parallel_loop3A_373 {strides = array<i32>} : memref<128x192xf32, #tpu.memory_space<vmem>>, vector<1x16xf32>,
      %parallel_loop3A_374 = arith.constant 3 : i32
      %parallel_loop3A_375 = arith.muli %parallel_loop3A_374, %parallel_loop3A_308 : i32
      %parallel_loop3A_376 = arith.constant 1 : i32
      %parallel_loop3A_377 = arith.addi %parallel_loop3A_375, %parallel_loop3A_376 : i32
      %parallel_loop3A_378 = arith.index_cast %parallel_loop3A_377 : i32 to index
      %parallel_loop3A_379 = arith.constant 16 : index
      %parallel_loop3A_380 = tpu.vector_load %arg6[%parallel_loop3A_378, %parallel_loop3A_379] {strides = array<i32>} : memref<384x128xf32, #tpu.memory_space<vmem>>, vector<1x16xf32>,
      %parallel_loop3A_381 = vector.shape_cast %parallel_loop3A_380 : vector<1x16xf32> to vector<16xf32>
      %parallel_loop3A_382 = arith.index_cast %parallel_loop3A_308 : i32 to index
      %parallel_loop3A_383 = arith.constant 80 : index
      %parallel_loop3A_384 = tpu.vector_load %arg7[%parallel_loop3A_382, %parallel_loop3A_383] {strides = array<i32>} : memref<128x192xf32, #tpu.memory_space<vmem>>, vector<1x16xf32>,
      %parallel_loop3A_385 = vector.shape_cast %parallel_loop3A_384 : vector<1x16xf32> to vector<16xf32>
      %parallel_loop3A_386 = vector.shape_cast %parallel_loop3A_381 : vector<16xf32> to vector<1x16xf32>
      tpu.vector_store %arg7[%parallel_loop3A_382, %parallel_loop3A_383], %parallel_loop3A_386 {strides = array<i32>} : memref<128x192xf32, #tpu.memory_space<vmem>>, vector<1x16xf32>,
      %parallel_loop3A_387 = arith.constant 3 : i32
      %parallel_loop3A_388 = arith.muli %parallel_loop3A_387, %parallel_loop3A_308 : i32
      %parallel_loop3A_389 = arith.constant 1 : i32
      %parallel_loop3A_390 = arith.addi %parallel_loop3A_388, %parallel_loop3A_389 : i32
      %parallel_loop3A_391 = arith.index_cast %parallel_loop3A_390 : i32 to index
      %parallel_loop3A_392 = arith.constant 32 : index
      %parallel_loop3A_393 = tpu.vector_load %arg6[%parallel_loop3A_391, %parallel_loop3A_392] {strides = array<i32>} : memref<384x128xf32, #tpu.memory_space<vmem>>, vector<1x16xf32>,
      %parallel_loop3A_394 = vector.shape_cast %parallel_loop3A_393 : vector<1x16xf32> to vector<16xf32>
      %parallel_loop3A_395 = arith.index_cast %parallel_loop3A_308 : i32 to index
      %parallel_loop3A_396 = arith.constant 96 : index
      %parallel_loop3A_397 = tpu.vector_load %arg7[%parallel_loop3A_395, %parallel_loop3A_396] {strides = array<i32>} : memref<128x192xf32, #tpu.memory_space<vmem>>, vector<1x16xf32>,
      %parallel_loop3A_398 = vector.shape_cast %parallel_loop3A_397 : vector<1x16xf32> to vector<16xf32>
      %parallel_loop3A_399 = vector.shape_cast %parallel_loop3A_394 : vector<16xf32> to vector<1x16xf32>
      tpu.vector_store %arg7[%parallel_loop3A_395, %parallel_loop3A_396], %parallel_loop3A_399 {strides = array<i32>} : memref<128x192xf32, #tpu.memory_space<vmem>>, vector<1x16xf32>,
      %parallel_loop3A_400 = arith.constant 3 : i32
      %parallel_loop3A_401 = arith.muli %parallel_loop3A_400, %parallel_loop3A_308 : i32
      %parallel_loop3A_402 = arith.constant 1 : i32
      %parallel_loop3A_403 = arith.addi %parallel_loop3A_401, %parallel_loop3A_402 : i32
      %parallel_loop3A_404 = arith.index_cast %parallel_loop3A_403 : i32 to index
      %parallel_loop3A_405 = arith.constant 48 : index
      %parallel_loop3A_406 = tpu.vector_load %arg6[%parallel_loop3A_404, %parallel_loop3A_405] {strides = array<i32>} : memref<384x128xf32, #tpu.memory_space<vmem>>, vector<1x16xf32>,
      %parallel_loop3A_407 = vector.shape_cast %parallel_loop3A_406 : vector<1x16xf32> to vector<16xf32>
      %parallel_loop3A_408 = arith.index_cast %parallel_loop3A_308 : i32 to index
      %parallel_loop3A_409 = arith.constant 112 : index
      %parallel_loop3A_410 = tpu.vector_load %arg7[%parallel_loop3A_408, %parallel_loop3A_409] {strides = array<i32>} : memref<128x192xf32, #tpu.memory_space<vmem>>, vector<1x16xf32>,
      %parallel_loop3A_411 = vector.shape_cast %parallel_loop3A_410 : vector<1x16xf32> to vector<16xf32>
      %parallel_loop3A_412 = vector.shape_cast %parallel_loop3A_407 : vector<16xf32> to vector<1x16xf32>
      tpu.vector_store %arg7[%parallel_loop3A_408, %parallel_loop3A_409], %parallel_loop3A_412 {strides = array<i32>} : memref<128x192xf32, #tpu.memory_space<vmem>>, vector<1x16xf32>,
      %parallel_loop3A_413 = arith.constant 3 : i32
      %parallel_loop3A_414 = arith.muli %parallel_loop3A_413, %parallel_loop3A_308 : i32
      %parallel_loop3A_415 = arith.constant 2 : i32
      %parallel_loop3A_416 = arith.addi %parallel_loop3A_414, %parallel_loop3A_415 : i32
      %parallel_loop3A_417 = arith.index_cast %parallel_loop3A_416 : i32 to index
      %parallel_loop3A_418 = arith.constant 0 : index
      %parallel_loop3A_419 = tpu.vector_load %arg6[%parallel_loop3A_417, %parallel_loop3A_418] {strides = array<i32>} : memref<384x128xf32, #tpu.memory_space<vmem>>, vector<1x16xf32>,
      %parallel_loop3A_420 = vector.shape_cast %parallel_loop3A_419 : vector<1x16xf32> to vector<16xf32>
      %parallel_loop3A_421 = arith.index_cast %parallel_loop3A_308 : i32 to index
      %parallel_loop3A_422 = arith.constant 128 : index
      %parallel_loop3A_423 = tpu.vector_load %arg7[%parallel_loop3A_421, %parallel_loop3A_422] {strides = array<i32>} : memref<128x192xf32, #tpu.memory_space<vmem>>, vector<1x16xf32>,
      %parallel_loop3A_424 = vector.shape_cast %parallel_loop3A_423 : vector<1x16xf32> to vector<16xf32>
      %parallel_loop3A_425 = vector.shape_cast %parallel_loop3A_420 : vector<16xf32> to vector<1x16xf32>
      tpu.vector_store %arg7[%parallel_loop3A_421, %parallel_loop3A_422], %parallel_loop3A_425 {strides = array<i32>} : memref<128x192xf32, #tpu.memory_space<vmem>>, vector<1x16xf32>,
      %parallel_loop3A_426 = arith.constant 3 : i32
      %parallel_loop3A_427 = arith.muli %parallel_loop3A_426, %parallel_loop3A_308 : i32
      %parallel_loop3A_428 = arith.constant 2 : i32
      %parallel_loop3A_429 = arith.addi %parallel_loop3A_427, %parallel_loop3A_428 : i32
      %parallel_loop3A_430 = arith.index_cast %parallel_loop3A_429 : i32 to index
      %parallel_loop3A_431 = arith.constant 16 : index
      %parallel_loop3A_432 = tpu.vector_load %arg6[%parallel_loop3A_430, %parallel_loop3A_431] {strides = array<i32>} : memref<384x128xf32, #tpu.memory_space<vmem>>, vector<1x16xf32>,
      %parallel_loop3A_433 = vector.shape_cast %parallel_loop3A_432 : vector<1x16xf32> to vector<16xf32>
      %parallel_loop3A_434 = arith.index_cast %parallel_loop3A_308 : i32 to index
      %parallel_loop3A_435 = arith.constant 144 : index
      %parallel_loop3A_436 = tpu.vector_load %arg7[%parallel_loop3A_434, %parallel_loop3A_435] {strides = array<i32>} : memref<128x192xf32, #tpu.memory_space<vmem>>, vector<1x16xf32>,
      %parallel_loop3A_437 = vector.shape_cast %parallel_loop3A_436 : vector<1x16xf32> to vector<16xf32>
      %parallel_loop3A_438 = vector.shape_cast %parallel_loop3A_433 : vector<16xf32> to vector<1x16xf32>
      tpu.vector_store %arg7[%parallel_loop3A_434, %parallel_loop3A_435], %parallel_loop3A_438 {strides = array<i32>} : memref<128x192xf32, #tpu.memory_space<vmem>>, vector<1x16xf32>,
      %parallel_loop3A_439 = arith.constant 3 : i32
      %parallel_loop3A_440 = arith.muli %parallel_loop3A_439, %parallel_loop3A_308 : i32
      %parallel_loop3A_441 = arith.constant 2 : i32
      %parallel_loop3A_442 = arith.addi %parallel_loop3A_440, %parallel_loop3A_441 : i32
      %parallel_loop3A_443 = arith.index_cast %parallel_loop3A_442 : i32 to index
      %parallel_loop3A_444 = arith.constant 32 : index
      %parallel_loop3A_445 = tpu.vector_load %arg6[%parallel_loop3A_443, %parallel_loop3A_444] {strides = array<i32>} : memref<384x128xf32, #tpu.memory_space<vmem>>, vector<1x16xf32>,
      %parallel_loop3A_446 = vector.shape_cast %parallel_loop3A_445 : vector<1x16xf32> to vector<16xf32>
      %parallel_loop3A_447 = arith.index_cast %parallel_loop3A_308 : i32 to index
      %parallel_loop3A_448 = arith.constant 160 : index
      %parallel_loop3A_449 = tpu.vector_load %arg7[%parallel_loop3A_447, %parallel_loop3A_448] {strides = array<i32>} : memref<128x192xf32, #tpu.memory_space<vmem>>, vector<1x16xf32>,
      %parallel_loop3A_450 = vector.shape_cast %parallel_loop3A_449 : vector<1x16xf32> to vector<16xf32>
      %parallel_loop3A_451 = vector.shape_cast %parallel_loop3A_446 : vector<16xf32> to vector<1x16xf32>
      tpu.vector_store %arg7[%parallel_loop3A_447, %parallel_loop3A_448], %parallel_loop3A_451 {strides = array<i32>} : memref<128x192xf32, #tpu.memory_space<vmem>>, vector<1x16xf32>,
      %parallel_loop3A_452 = arith.constant 3 : i32
      %parallel_loop3A_453 = arith.muli %parallel_loop3A_452, %parallel_loop3A_308 : i32
      %parallel_loop3A_454 = arith.constant 2 : i32
      %parallel_loop3A_455 = arith.addi %parallel_loop3A_453, %parallel_loop3A_454 : i32
      %parallel_loop3A_456 = arith.index_cast %parallel_loop3A_455 : i32 to index
      %parallel_loop3A_457 = arith.constant 48 : index
      %parallel_loop3A_458 = tpu.vector_load %arg6[%parallel_loop3A_456, %parallel_loop3A_457] {strides = array<i32>} : memref<384x128xf32, #tpu.memory_space<vmem>>, vector<1x16xf32>,
      %parallel_loop3A_459 = vector.shape_cast %parallel_loop3A_458 : vector<1x16xf32> to vector<16xf32>
      %parallel_loop3A_460 = arith.index_cast %parallel_loop3A_308 : i32 to index
      %parallel_loop3A_461 = arith.constant 176 : index
      %parallel_loop3A_462 = tpu.vector_load %arg7[%parallel_loop3A_460, %parallel_loop3A_461] {strides = array<i32>} : memref<128x192xf32, #tpu.memory_space<vmem>>, vector<1x16xf32>,
      %parallel_loop3A_463 = vector.shape_cast %parallel_loop3A_462 : vector<1x16xf32> to vector<16xf32>
      %parallel_loop3A_464 = vector.shape_cast %parallel_loop3A_459 : vector<16xf32> to vector<1x16xf32>
      tpu.vector_store %arg7[%parallel_loop3A_460, %parallel_loop3A_461], %parallel_loop3A_464 {strides = array<i32>} : memref<128x192xf32, #tpu.memory_space<vmem>>, vector<1x16xf32>,
    } {sc.loop_unroll_factor = 1 : i64, sc.parallel_access}
    %add3A_144 = arith.constant 128 : i32
    %add3A_145 = arith.addi %mul3A_2, %add3A_144 : i32
    %dma_start3A_146 = arith.constant 0 : i32
    %dma_start3A_147 = tpu.memref_slice %arg4[%add3A_145, %dma_start3A_146] : memref<16384x192xf32, #tpu.memory_space<hbm>> -> memref<128x192xf32, #tpu.memory_space<hbm>>
    %dma_start3A_148 = arith.constant 0 : i32
    %dma_start3A_149 = tpu.memref_slice %arg4[%add3A_145, %dma_start3A_148] : memref<16384x192xf32, #tpu.memory_space<hbm>> -> memref<128x192xf32, #tpu.memory_space<hbm>>
    tpu.enqueue_dma source(%arg7 : memref<128x192xf32, #tpu.memory_space<vmem>>) target(%dma_start3A_149 : memref<128x192xf32, #tpu.memory_space<hbm>>) target_semaphore(%arg9 : memref<!tpu.dma_semaphore, #tpu.memory_space<semaphore_mem>>)
    %mul3A_150 = arith.constant 4 : i32
    %mul3A_151 = arith.muli %add3A, %mul3A_150 : i32
    %add3A_152 = arith.constant 2 : i32
    %add3A_153 = arith.addi %mul3A_151, %add3A_152 : i32
    "tpu.region"() ({
      %run_scoped3A = tpu.sem_alloc : memref<!tpu.dma_semaphore, #tpu.memory_space<semaphore_mem>>
      %dma_start3A_308 = arith.constant 0 : i32
      %dma_start3A_309 = arith.constant 0 : i32
      %dma_start3A_310 = tpu.memref_slice %arg2[%add3A_153, %dma_start3A_308, %dma_start3A_309] : memref<128x3x128xi32, #tpu.memory_space<hbm>> -> memref<1x3x128xi32, #tpu.memory_space<hbm>>
      %dma_start3A_311 = tpu.memref_squeeze %dma_start3A_310 : memref<1x3x128xi32, #tpu.memory_space<hbm>> -> memref<3x128xi32, #tpu.memory_space<hbm>>
      %dma_start3A_312 = arith.constant 0 : i32
      %dma_start3A_313 = arith.constant 0 : i32
      %dma_start3A_314 = tpu.memref_slice %arg2[%add3A_153, %dma_start3A_312, %dma_start3A_313] : memref<128x3x128xi32, #tpu.memory_space<hbm>> -> memref<1x3x128xi32, #tpu.memory_space<hbm>>
      %dma_start3A_315 = tpu.memref_squeeze %dma_start3A_314 : memref<1x3x128xi32, #tpu.memory_space<hbm>> -> memref<3x128xi32, #tpu.memory_space<hbm>>
      tpu.enqueue_dma source(%dma_start3A_315 : memref<3x128xi32, #tpu.memory_space<hbm>>) target(%arg5 : memref<3x128xi32, #tpu.memory_space<vmem>>) target_semaphore(%run_scoped3A : memref<!tpu.dma_semaphore, #tpu.memory_space<semaphore_mem>>)
      %dma_wait3A_316 = arith.constant 0 : i32
      %dma_wait3A_317 = arith.constant 0 : i32
      %dma_wait3A_318 = tpu.memref_slice %arg2[%add3A_153, %dma_wait3A_316, %dma_wait3A_317] : memref<128x3x128xi32, #tpu.memory_space<hbm>> -> memref<1x3x128xi32, #tpu.memory_space<hbm>>
      %dma_wait3A_319 = tpu.memref_squeeze %dma_wait3A_318 : memref<1x3x128xi32, #tpu.memory_space<hbm>> -> memref<3x128xi32, #tpu.memory_space<hbm>>
      %dma_wait3A_320 = arith.constant 0 : i32
      %dma_wait3A_321 = arith.constant 0 : i32
      %dma_wait3A_322 = tpu.memref_slice %arg2[%add3A_153, %dma_wait3A_320, %dma_wait3A_321] : memref<128x3x128xi32, #tpu.memory_space<hbm>> -> memref<1x3x128xi32, #tpu.memory_space<hbm>>
      %dma_wait3A_323 = tpu.memref_squeeze %dma_wait3A_322 : memref<1x3x128xi32, #tpu.memory_space<hbm>> -> memref<3x128xi32, #tpu.memory_space<hbm>>
      tpu.wait_dma2 semaphore(%run_scoped3A : memref<!tpu.dma_semaphore, #tpu.memory_space<semaphore_mem>>) src(%dma_wait3A_323 : memref<3x128xi32, #tpu.memory_space<hbm>>) dst(%arg5 : memref<3x128xi32, #tpu.memory_space<vmem>>)
      tpu.yield
    }) : () -> ()
    %dma_start3A_154 = arith.constant 0 : i32
    %dma_start3A_155 = arith.constant 0 : i32
    %dma_start3A_156 = arith.constant 0 : i32
    %dma_start3A_157 = tpu.memref_slice %arg6[%dma_start3A_155, %dma_start3A_156] : memref<384x128xf32, #tpu.memory_space<vmem>> -> memref<128x128xf32, #tpu.memory_space<vmem>>
    %dma_start3A_158 = arith.constant 0 : i32
    %dma_start3A_159 = tpu.memref_slice %arg5[%dma_start3A_154, %dma_start3A_158] : memref<3x128xi32, #tpu.memory_space<vmem>> -> memref<1x128xi32, #tpu.memory_space<vmem>>
    %dma_start3A_160 = tpu.memref_squeeze %dma_start3A_159 : memref<1x128xi32, #tpu.memory_space<vmem>> -> memref<128xi32, #tpu.memory_space<vmem>>
    %dma_start3A_161 = arith.constant 0 : i32
    %dma_start3A_162 = arith.constant 0 : i32
    %dma_start3A_163 = tpu.memref_slice %arg3[%dma_start3A_161, %dma_start3A_162] : memref<2304x128xf32, #tpu.memory_space<hbm>> -> memref<2304x128xf32, #tpu.memory_space<hbm>>
    tpu.enqueue_indirect_dma source(%dma_start3A_163 : memref<2304x128xf32, #tpu.memory_space<hbm>>) target(%dma_start3A_157 : memref<128x128xf32, #tpu.memory_space<vmem>>) offsets(%dma_start3A_160 : memref<128xi32, #tpu.memory_space<vmem>>) semaphore(%arg8 : memref<!tpu.dma_semaphore, #tpu.memory_space<semaphore_mem>>)
    %dma_start3A_164 = arith.constant 1 : i32
    %dma_start3A_165 = arith.constant 128 : i32
    %dma_start3A_166 = arith.constant 0 : i32
    %dma_start3A_167 = tpu.memref_slice %arg6[%dma_start3A_165, %dma_start3A_166] : memref<384x128xf32, #tpu.memory_space<vmem>> -> memref<128x128xf32, #tpu.memory_space<vmem>>
    %dma_start3A_168 = arith.constant 0 : i32
    %dma_start3A_169 = tpu.memref_slice %arg5[%dma_start3A_164, %dma_start3A_168] : memref<3x128xi32, #tpu.memory_space<vmem>> -> memref<1x128xi32, #tpu.memory_space<vmem>>
    %dma_start3A_170 = tpu.memref_squeeze %dma_start3A_169 : memref<1x128xi32, #tpu.memory_space<vmem>> -> memref<128xi32, #tpu.memory_space<vmem>>
    %dma_start3A_171 = arith.constant 0 : i32
    %dma_start3A_172 = arith.constant 0 : i32
    %dma_start3A_173 = tpu.memref_slice %arg3[%dma_start3A_171, %dma_start3A_172] : memref<2304x128xf32, #tpu.memory_space<hbm>> -> memref<2304x128xf32, #tpu.memory_space<hbm>>
    tpu.enqueue_indirect_dma source(%dma_start3A_173 : memref<2304x128xf32, #tpu.memory_space<hbm>>) target(%dma_start3A_167 : memref<128x128xf32, #tpu.memory_space<vmem>>) offsets(%dma_start3A_170 : memref<128xi32, #tpu.memory_space<vmem>>) semaphore(%arg8 : memref<!tpu.dma_semaphore, #tpu.memory_space<semaphore_mem>>)
    %dma_start3A_174 = arith.constant 2 : i32
    %dma_start3A_175 = arith.constant 256 : i32
    %dma_start3A_176 = arith.constant 0 : i32
    %dma_start3A_177 = tpu.memref_slice %arg6[%dma_start3A_175, %dma_start3A_176] : memref<384x128xf32, #tpu.memory_space<vmem>> -> memref<128x128xf32, #tpu.memory_space<vmem>>
    %dma_start3A_178 = arith.constant 0 : i32
    %dma_start3A_179 = tpu.memref_slice %arg5[%dma_start3A_174, %dma_start3A_178] : memref<3x128xi32, #tpu.memory_space<vmem>> -> memref<1x128xi32, #tpu.memory_space<vmem>>
    %dma_start3A_180 = tpu.memref_squeeze %dma_start3A_179 : memref<1x128xi32, #tpu.memory_space<vmem>> -> memref<128xi32, #tpu.memory_space<vmem>>
    %dma_start3A_181 = arith.constant 0 : i32
    %dma_start3A_182 = arith.constant 0 : i32
    %dma_start3A_183 = tpu.memref_slice %arg3[%dma_start3A_181, %dma_start3A_182] : memref<2304x128xf32, #tpu.memory_space<hbm>> -> memref<2304x128xf32, #tpu.memory_space<hbm>>
    tpu.enqueue_indirect_dma source(%dma_start3A_183 : memref<2304x128xf32, #tpu.memory_space<hbm>>) target(%dma_start3A_177 : memref<128x128xf32, #tpu.memory_space<vmem>>) offsets(%dma_start3A_180 : memref<128xi32, #tpu.memory_space<vmem>>) semaphore(%arg8 : memref<!tpu.dma_semaphore, #tpu.memory_space<semaphore_mem>>)
    %dma_wait3A_184 = arith.constant 0 : i32
    %dma_wait3A_185 = arith.constant 0 : i32
    %dma_wait3A_186 = arith.constant 0 : i32
    %dma_wait3A_187 = tpu.memref_slice %arg6[%dma_wait3A_185, %dma_wait3A_186] : memref<384x128xf32, #tpu.memory_space<vmem>> -> memref<128x128xf32, #tpu.memory_space<vmem>>
    %dma_wait3A_188 = arith.constant 0 : i32
    %dma_wait3A_189 = tpu.memref_slice %arg5[%dma_wait3A_184, %dma_wait3A_188] : memref<3x128xi32, #tpu.memory_space<vmem>> -> memref<1x128xi32, #tpu.memory_space<vmem>>
    %dma_wait3A_190 = tpu.memref_squeeze %dma_wait3A_189 : memref<1x128xi32, #tpu.memory_space<vmem>> -> memref<128xi32, #tpu.memory_space<vmem>>
    %dma_wait3A_191 = arith.constant 0 : i32
    %dma_wait3A_192 = arith.constant 0 : i32
    %dma_wait3A_193 = tpu.memref_slice %arg3[%dma_wait3A_191, %dma_wait3A_192] : memref<2304x128xf32, #tpu.memory_space<hbm>> -> memref<2304x128xf32, #tpu.memory_space<hbm>>
    tpu.wait_indirect_dma semaphore(%arg8 : memref<!tpu.dma_semaphore, #tpu.memory_space<semaphore_mem>>) src(%dma_wait3A_193 : memref<2304x128xf32, #tpu.memory_space<hbm>>) dst(%dma_wait3A_187 : memref<128x128xf32, #tpu.memory_space<vmem>>)
    %dma_wait3A_194 = arith.constant 1 : i32
    %dma_wait3A_195 = arith.constant 128 : i32
    %dma_wait3A_196 = arith.constant 0 : i32
    %dma_wait3A_197 = tpu.memref_slice %arg6[%dma_wait3A_195, %dma_wait3A_196] : memref<384x128xf32, #tpu.memory_space<vmem>> -> memref<128x128xf32, #tpu.memory_space<vmem>>
    %dma_wait3A_198 = arith.constant 0 : i32
    %dma_wait3A_199 = tpu.memref_slice %arg5[%dma_wait3A_194, %dma_wait3A_198] : memref<3x128xi32, #tpu.memory_space<vmem>> -> memref<1x128xi32, #tpu.memory_space<vmem>>
    %dma_wait3A_200 = tpu.memref_squeeze %dma_wait3A_199 : memref<1x128xi32, #tpu.memory_space<vmem>> -> memref<128xi32, #tpu.memory_space<vmem>>
    %dma_wait3A_201 = arith.constant 0 : i32
    %dma_wait3A_202 = arith.constant 0 : i32
    %dma_wait3A_203 = tpu.memref_slice %arg3[%dma_wait3A_201, %dma_wait3A_202] : memref<2304x128xf32, #tpu.memory_space<hbm>> -> memref<2304x128xf32, #tpu.memory_space<hbm>>
    tpu.wait_indirect_dma semaphore(%arg8 : memref<!tpu.dma_semaphore, #tpu.memory_space<semaphore_mem>>) src(%dma_wait3A_203 : memref<2304x128xf32, #tpu.memory_space<hbm>>) dst(%dma_wait3A_197 : memref<128x128xf32, #tpu.memory_space<vmem>>)
    %dma_wait3A_204 = arith.constant 2 : i32
    %dma_wait3A_205 = arith.constant 256 : i32
    %dma_wait3A_206 = arith.constant 0 : i32
    %dma_wait3A_207 = tpu.memref_slice %arg6[%dma_wait3A_205, %dma_wait3A_206] : memref<384x128xf32, #tpu.memory_space<vmem>> -> memref<128x128xf32, #tpu.memory_space<vmem>>
    %dma_wait3A_208 = arith.constant 0 : i32
    %dma_wait3A_209 = tpu.memref_slice %arg5[%dma_wait3A_204, %dma_wait3A_208] : memref<3x128xi32, #tpu.memory_space<vmem>> -> memref<1x128xi32, #tpu.memory_space<vmem>>
    %dma_wait3A_210 = tpu.memref_squeeze %dma_wait3A_209 : memref<1x128xi32, #tpu.memory_space<vmem>> -> memref<128xi32, #tpu.memory_space<vmem>>
    %dma_wait3A_211 = arith.constant 0 : i32
    %dma_wait3A_212 = arith.constant 0 : i32
    %dma_wait3A_213 = tpu.memref_slice %arg3[%dma_wait3A_211, %dma_wait3A_212] : memref<2304x128xf32, #tpu.memory_space<hbm>> -> memref<2304x128xf32, #tpu.memory_space<hbm>>
    tpu.wait_indirect_dma semaphore(%arg8 : memref<!tpu.dma_semaphore, #tpu.memory_space<semaphore_mem>>) src(%dma_wait3A_213 : memref<2304x128xf32, #tpu.memory_space<hbm>>) dst(%dma_wait3A_207 : memref<128x128xf32, #tpu.memory_space<vmem>>)
    %dma_wait3A_214 = arith.constant 0 : i32
    %dma_wait3A_215 = tpu.memref_slice %arg4[%add3A_145, %dma_wait3A_214] : memref<16384x192xf32, #tpu.memory_space<hbm>> -> memref<128x192xf32, #tpu.memory_space<hbm>>
    %dma_wait3A_216 = arith.constant 0 : i32
    %dma_wait3A_217 = tpu.memref_slice %arg4[%add3A_145, %dma_wait3A_216] : memref<16384x192xf32, #tpu.memory_space<hbm>> -> memref<128x192xf32, #tpu.memory_space<hbm>>
    tpu.wait_dma2 semaphore(%arg9 : memref<!tpu.dma_semaphore, #tpu.memory_space<semaphore_mem>>) src(%arg7 : memref<128x192xf32, #tpu.memory_space<vmem>>) dst(%dma_wait3A_217 : memref<128x192xf32, #tpu.memory_space<hbm>>)
    %parallel_loop3A_218 = arith.constant 0 : i32
    %parallel_loop3A_219 = arith.constant 128 : i32
    %parallel_loop3A_220 = arith.constant 1 : i32
    scf.for %parallel_loop3A_308 = %parallel_loop3A_218 to %parallel_loop3A_219 step %parallel_loop3A_220  : i32 {
      %parallel_loop3A_309 = arith.constant 3 : i32
      %parallel_loop3A_310 = arith.muli %parallel_loop3A_309, %parallel_loop3A_308 : i32
      %parallel_loop3A_311 = arith.constant 0 : i32
      %parallel_loop3A_312 = arith.addi %parallel_loop3A_310, %parallel_loop3A_311 : i32
      %parallel_loop3A_313 = arith.index_cast %parallel_loop3A_312 : i32 to index
      %parallel_loop3A_314 = arith.constant 0 : index
      %parallel_loop3A_315 = tpu.vector_load %arg6[%parallel_loop3A_313, %parallel_loop3A_314] {strides = array<i32>} : memref<384x128xf32, #tpu.memory_space<vmem>>, vector<1x16xf32>,
      %parallel_loop3A_316 = vector.shape_cast %parallel_loop3A_315 : vector<1x16xf32> to vector<16xf32>
      %parallel_loop3A_317 = arith.index_cast %parallel_loop3A_308 : i32 to index
      %parallel_loop3A_318 = arith.constant 0 : index
      %parallel_loop3A_319 = tpu.vector_load %arg7[%parallel_loop3A_317, %parallel_loop3A_318] {strides = array<i32>} : memref<128x192xf32, #tpu.memory_space<vmem>>, vector<1x16xf32>,
      %parallel_loop3A_320 = vector.shape_cast %parallel_loop3A_319 : vector<1x16xf32> to vector<16xf32>
      %parallel_loop3A_321 = vector.shape_cast %parallel_loop3A_316 : vector<16xf32> to vector<1x16xf32>
      tpu.vector_store %arg7[%parallel_loop3A_317, %parallel_loop3A_318], %parallel_loop3A_321 {strides = array<i32>} : memref<128x192xf32, #tpu.memory_space<vmem>>, vector<1x16xf32>,
      %parallel_loop3A_322 = arith.constant 3 : i32
      %parallel_loop3A_323 = arith.muli %parallel_loop3A_322, %parallel_loop3A_308 : i32
      %parallel_loop3A_324 = arith.constant 0 : i32
      %parallel_loop3A_325 = arith.addi %parallel_loop3A_323, %parallel_loop3A_324 : i32
      %parallel_loop3A_326 = arith.index_cast %parallel_loop3A_325 : i32 to index
      %parallel_loop3A_327 = arith.constant 16 : index
      %parallel_loop3A_328 = tpu.vector_load %arg6[%parallel_loop3A_326, %parallel_loop3A_327] {strides = array<i32>} : memref<384x128xf32, #tpu.memory_space<vmem>>, vector<1x16xf32>,
      %parallel_loop3A_329 = vector.shape_cast %parallel_loop3A_328 : vector<1x16xf32> to vector<16xf32>
      %parallel_loop3A_330 = arith.index_cast %parallel_loop3A_308 : i32 to index
      %parallel_loop3A_331 = arith.constant 16 : index
      %parallel_loop3A_332 = tpu.vector_load %arg7[%parallel_loop3A_330, %parallel_loop3A_331] {strides = array<i32>} : memref<128x192xf32, #tpu.memory_space<vmem>>, vector<1x16xf32>,
      %parallel_loop3A_333 = vector.shape_cast %parallel_loop3A_332 : vector<1x16xf32> to vector<16xf32>
      %parallel_loop3A_334 = vector.shape_cast %parallel_loop3A_329 : vector<16xf32> to vector<1x16xf32>
      tpu.vector_store %arg7[%parallel_loop3A_330, %parallel_loop3A_331], %parallel_loop3A_334 {strides = array<i32>} : memref<128x192xf32, #tpu.memory_space<vmem>>, vector<1x16xf32>,
      %parallel_loop3A_335 = arith.constant 3 : i32
      %parallel_loop3A_336 = arith.muli %parallel_loop3A_335, %parallel_loop3A_308 : i32
      %parallel_loop3A_337 = arith.constant 0 : i32
      %parallel_loop3A_338 = arith.addi %parallel_loop3A_336, %parallel_loop3A_337 : i32
      %parallel_loop3A_339 = arith.index_cast %parallel_loop3A_338 : i32 to index
      %parallel_loop3A_340 = arith.constant 32 : index
      %parallel_loop3A_341 = tpu.vector_load %arg6[%parallel_loop3A_339, %parallel_loop3A_340] {strides = array<i32>} : memref<384x128xf32, #tpu.memory_space<vmem>>, vector<1x16xf32>,
      %parallel_loop3A_342 = vector.shape_cast %parallel_loop3A_341 : vector<1x16xf32> to vector<16xf32>
      %parallel_loop3A_343 = arith.index_cast %parallel_loop3A_308 : i32 to index
      %parallel_loop3A_344 = arith.constant 32 : index
      %parallel_loop3A_345 = tpu.vector_load %arg7[%parallel_loop3A_343, %parallel_loop3A_344] {strides = array<i32>} : memref<128x192xf32, #tpu.memory_space<vmem>>, vector<1x16xf32>,
      %parallel_loop3A_346 = vector.shape_cast %parallel_loop3A_345 : vector<1x16xf32> to vector<16xf32>
      %parallel_loop3A_347 = vector.shape_cast %parallel_loop3A_342 : vector<16xf32> to vector<1x16xf32>
      tpu.vector_store %arg7[%parallel_loop3A_343, %parallel_loop3A_344], %parallel_loop3A_347 {strides = array<i32>} : memref<128x192xf32, #tpu.memory_space<vmem>>, vector<1x16xf32>,
      %parallel_loop3A_348 = arith.constant 3 : i32
      %parallel_loop3A_349 = arith.muli %parallel_loop3A_348, %parallel_loop3A_308 : i32
      %parallel_loop3A_350 = arith.constant 0 : i32
      %parallel_loop3A_351 = arith.addi %parallel_loop3A_349, %parallel_loop3A_350 : i32
      %parallel_loop3A_352 = arith.index_cast %parallel_loop3A_351 : i32 to index
      %parallel_loop3A_353 = arith.constant 48 : index
      %parallel_loop3A_354 = tpu.vector_load %arg6[%parallel_loop3A_352, %parallel_loop3A_353] {strides = array<i32>} : memref<384x128xf32, #tpu.memory_space<vmem>>, vector<1x16xf32>,
      %parallel_loop3A_355 = vector.shape_cast %parallel_loop3A_354 : vector<1x16xf32> to vector<16xf32>
      %parallel_loop3A_356 = arith.index_cast %parallel_loop3A_308 : i32 to index
      %parallel_loop3A_357 = arith.constant 48 : index
      %parallel_loop3A_358 = tpu.vector_load %arg7[%parallel_loop3A_356, %parallel_loop3A_357] {strides = array<i32>} : memref<128x192xf32, #tpu.memory_space<vmem>>, vector<1x16xf32>,
      %parallel_loop3A_359 = vector.shape_cast %parallel_loop3A_358 : vector<1x16xf32> to vector<16xf32>
      %parallel_loop3A_360 = vector.shape_cast %parallel_loop3A_355 : vector<16xf32> to vector<1x16xf32>
      tpu.vector_store %arg7[%parallel_loop3A_356, %parallel_loop3A_357], %parallel_loop3A_360 {strides = array<i32>} : memref<128x192xf32, #tpu.memory_space<vmem>>, vector<1x16xf32>,
      %parallel_loop3A_361 = arith.constant 3 : i32
      %parallel_loop3A_362 = arith.muli %parallel_loop3A_361, %parallel_loop3A_308 : i32
      %parallel_loop3A_363 = arith.constant 1 : i32
      %parallel_loop3A_364 = arith.addi %parallel_loop3A_362, %parallel_loop3A_363 : i32
      %parallel_loop3A_365 = arith.index_cast %parallel_loop3A_364 : i32 to index
      %parallel_loop3A_366 = arith.constant 0 : index
      %parallel_loop3A_367 = tpu.vector_load %arg6[%parallel_loop3A_365, %parallel_loop3A_366] {strides = array<i32>} : memref<384x128xf32, #tpu.memory_space<vmem>>, vector<1x16xf32>,
      %parallel_loop3A_368 = vector.shape_cast %parallel_loop3A_367 : vector<1x16xf32> to vector<16xf32>
      %parallel_loop3A_369 = arith.index_cast %parallel_loop3A_308 : i32 to index
      %parallel_loop3A_370 = arith.constant 64 : index
      %parallel_loop3A_371 = tpu.vector_load %arg7[%parallel_loop3A_369, %parallel_loop3A_370] {strides = array<i32>} : memref<128x192xf32, #tpu.memory_space<vmem>>, vector<1x16xf32>,
      %parallel_loop3A_372 = vector.shape_cast %parallel_loop3A_371 : vector<1x16xf32> to vector<16xf32>
      %parallel_loop3A_373 = vector.shape_cast %parallel_loop3A_368 : vector<16xf32> to vector<1x16xf32>
      tpu.vector_store %arg7[%parallel_loop3A_369, %parallel_loop3A_370], %parallel_loop3A_373 {strides = array<i32>} : memref<128x192xf32, #tpu.memory_space<vmem>>, vector<1x16xf32>,
      %parallel_loop3A_374 = arith.constant 3 : i32
      %parallel_loop3A_375 = arith.muli %parallel_loop3A_374, %parallel_loop3A_308 : i32
      %parallel_loop3A_376 = arith.constant 1 : i32
      %parallel_loop3A_377 = arith.addi %parallel_loop3A_375, %parallel_loop3A_376 : i32
      %parallel_loop3A_378 = arith.index_cast %parallel_loop3A_377 : i32 to index
      %parallel_loop3A_379 = arith.constant 16 : index
      %parallel_loop3A_380 = tpu.vector_load %arg6[%parallel_loop3A_378, %parallel_loop3A_379] {strides = array<i32>} : memref<384x128xf32, #tpu.memory_space<vmem>>, vector<1x16xf32>,
      %parallel_loop3A_381 = vector.shape_cast %parallel_loop3A_380 : vector<1x16xf32> to vector<16xf32>
      %parallel_loop3A_382 = arith.index_cast %parallel_loop3A_308 : i32 to index
      %parallel_loop3A_383 = arith.constant 80 : index
      %parallel_loop3A_384 = tpu.vector_load %arg7[%parallel_loop3A_382, %parallel_loop3A_383] {strides = array<i32>} : memref<128x192xf32, #tpu.memory_space<vmem>>, vector<1x16xf32>,
      %parallel_loop3A_385 = vector.shape_cast %parallel_loop3A_384 : vector<1x16xf32> to vector<16xf32>
      %parallel_loop3A_386 = vector.shape_cast %parallel_loop3A_381 : vector<16xf32> to vector<1x16xf32>
      tpu.vector_store %arg7[%parallel_loop3A_382, %parallel_loop3A_383], %parallel_loop3A_386 {strides = array<i32>} : memref<128x192xf32, #tpu.memory_space<vmem>>, vector<1x16xf32>,
      %parallel_loop3A_387 = arith.constant 3 : i32
      %parallel_loop3A_388 = arith.muli %parallel_loop3A_387, %parallel_loop3A_308 : i32
      %parallel_loop3A_389 = arith.constant 1 : i32
      %parallel_loop3A_390 = arith.addi %parallel_loop3A_388, %parallel_loop3A_389 : i32
      %parallel_loop3A_391 = arith.index_cast %parallel_loop3A_390 : i32 to index
      %parallel_loop3A_392 = arith.constant 32 : index
      %parallel_loop3A_393 = tpu.vector_load %arg6[%parallel_loop3A_391, %parallel_loop3A_392] {strides = array<i32>} : memref<384x128xf32, #tpu.memory_space<vmem>>, vector<1x16xf32>,
      %parallel_loop3A_394 = vector.shape_cast %parallel_loop3A_393 : vector<1x16xf32> to vector<16xf32>
      %parallel_loop3A_395 = arith.index_cast %parallel_loop3A_308 : i32 to index
      %parallel_loop3A_396 = arith.constant 96 : index
      %parallel_loop3A_397 = tpu.vector_load %arg7[%parallel_loop3A_395, %parallel_loop3A_396] {strides = array<i32>} : memref<128x192xf32, #tpu.memory_space<vmem>>, vector<1x16xf32>,
      %parallel_loop3A_398 = vector.shape_cast %parallel_loop3A_397 : vector<1x16xf32> to vector<16xf32>
      %parallel_loop3A_399 = vector.shape_cast %parallel_loop3A_394 : vector<16xf32> to vector<1x16xf32>
      tpu.vector_store %arg7[%parallel_loop3A_395, %parallel_loop3A_396], %parallel_loop3A_399 {strides = array<i32>} : memref<128x192xf32, #tpu.memory_space<vmem>>, vector<1x16xf32>,
      %parallel_loop3A_400 = arith.constant 3 : i32
      %parallel_loop3A_401 = arith.muli %parallel_loop3A_400, %parallel_loop3A_308 : i32
      %parallel_loop3A_402 = arith.constant 1 : i32
      %parallel_loop3A_403 = arith.addi %parallel_loop3A_401, %parallel_loop3A_402 : i32
      %parallel_loop3A_404 = arith.index_cast %parallel_loop3A_403 : i32 to index
      %parallel_loop3A_405 = arith.constant 48 : index
      %parallel_loop3A_406 = tpu.vector_load %arg6[%parallel_loop3A_404, %parallel_loop3A_405] {strides = array<i32>} : memref<384x128xf32, #tpu.memory_space<vmem>>, vector<1x16xf32>,
      %parallel_loop3A_407 = vector.shape_cast %parallel_loop3A_406 : vector<1x16xf32> to vector<16xf32>
      %parallel_loop3A_408 = arith.index_cast %parallel_loop3A_308 : i32 to index
      %parallel_loop3A_409 = arith.constant 112 : index
      %parallel_loop3A_410 = tpu.vector_load %arg7[%parallel_loop3A_408, %parallel_loop3A_409] {strides = array<i32>} : memref<128x192xf32, #tpu.memory_space<vmem>>, vector<1x16xf32>,
      %parallel_loop3A_411 = vector.shape_cast %parallel_loop3A_410 : vector<1x16xf32> to vector<16xf32>
      %parallel_loop3A_412 = vector.shape_cast %parallel_loop3A_407 : vector<16xf32> to vector<1x16xf32>
      tpu.vector_store %arg7[%parallel_loop3A_408, %parallel_loop3A_409], %parallel_loop3A_412 {strides = array<i32>} : memref<128x192xf32, #tpu.memory_space<vmem>>, vector<1x16xf32>,
      %parallel_loop3A_413 = arith.constant 3 : i32
      %parallel_loop3A_414 = arith.muli %parallel_loop3A_413, %parallel_loop3A_308 : i32
      %parallel_loop3A_415 = arith.constant 2 : i32
      %parallel_loop3A_416 = arith.addi %parallel_loop3A_414, %parallel_loop3A_415 : i32
      %parallel_loop3A_417 = arith.index_cast %parallel_loop3A_416 : i32 to index
      %parallel_loop3A_418 = arith.constant 0 : index
      %parallel_loop3A_419 = tpu.vector_load %arg6[%parallel_loop3A_417, %parallel_loop3A_418] {strides = array<i32>} : memref<384x128xf32, #tpu.memory_space<vmem>>, vector<1x16xf32>,
      %parallel_loop3A_420 = vector.shape_cast %parallel_loop3A_419 : vector<1x16xf32> to vector<16xf32>
      %parallel_loop3A_421 = arith.index_cast %parallel_loop3A_308 : i32 to index
      %parallel_loop3A_422 = arith.constant 128 : index
      %parallel_loop3A_423 = tpu.vector_load %arg7[%parallel_loop3A_421, %parallel_loop3A_422] {strides = array<i32>} : memref<128x192xf32, #tpu.memory_space<vmem>>, vector<1x16xf32>,
      %parallel_loop3A_424 = vector.shape_cast %parallel_loop3A_423 : vector<1x16xf32> to vector<16xf32>
      %parallel_loop3A_425 = vector.shape_cast %parallel_loop3A_420 : vector<16xf32> to vector<1x16xf32>
      tpu.vector_store %arg7[%parallel_loop3A_421, %parallel_loop3A_422], %parallel_loop3A_425 {strides = array<i32>} : memref<128x192xf32, #tpu.memory_space<vmem>>, vector<1x16xf32>,
      %parallel_loop3A_426 = arith.constant 3 : i32
      %parallel_loop3A_427 = arith.muli %parallel_loop3A_426, %parallel_loop3A_308 : i32
      %parallel_loop3A_428 = arith.constant 2 : i32
      %parallel_loop3A_429 = arith.addi %parallel_loop3A_427, %parallel_loop3A_428 : i32
      %parallel_loop3A_430 = arith.index_cast %parallel_loop3A_429 : i32 to index
      %parallel_loop3A_431 = arith.constant 16 : index
      %parallel_loop3A_432 = tpu.vector_load %arg6[%parallel_loop3A_430, %parallel_loop3A_431] {strides = array<i32>} : memref<384x128xf32, #tpu.memory_space<vmem>>, vector<1x16xf32>,
      %parallel_loop3A_433 = vector.shape_cast %parallel_loop3A_432 : vector<1x16xf32> to vector<16xf32>
      %parallel_loop3A_434 = arith.index_cast %parallel_loop3A_308 : i32 to index
      %parallel_loop3A_435 = arith.constant 144 : index
      %parallel_loop3A_436 = tpu.vector_load %arg7[%parallel_loop3A_434, %parallel_loop3A_435] {strides = array<i32>} : memref<128x192xf32, #tpu.memory_space<vmem>>, vector<1x16xf32>,
      %parallel_loop3A_437 = vector.shape_cast %parallel_loop3A_436 : vector<1x16xf32> to vector<16xf32>
      %parallel_loop3A_438 = vector.shape_cast %parallel_loop3A_433 : vector<16xf32> to vector<1x16xf32>
      tpu.vector_store %arg7[%parallel_loop3A_434, %parallel_loop3A_435], %parallel_loop3A_438 {strides = array<i32>} : memref<128x192xf32, #tpu.memory_space<vmem>>, vector<1x16xf32>,
      %parallel_loop3A_439 = arith.constant 3 : i32
      %parallel_loop3A_440 = arith.muli %parallel_loop3A_439, %parallel_loop3A_308 : i32
      %parallel_loop3A_441 = arith.constant 2 : i32
      %parallel_loop3A_442 = arith.addi %parallel_loop3A_440, %parallel_loop3A_441 : i32
      %parallel_loop3A_443 = arith.index_cast %parallel_loop3A_442 : i32 to index
      %parallel_loop3A_444 = arith.constant 32 : index
      %parallel_loop3A_445 = tpu.vector_load %arg6[%parallel_loop3A_443, %parallel_loop3A_444] {strides = array<i32>} : memref<384x128xf32, #tpu.memory_space<vmem>>, vector<1x16xf32>,
      %parallel_loop3A_446 = vector.shape_cast %parallel_loop3A_445 : vector<1x16xf32> to vector<16xf32>
      %parallel_loop3A_447 = arith.index_cast %parallel_loop3A_308 : i32 to index
      %parallel_loop3A_448 = arith.constant 160 : index
      %parallel_loop3A_449 = tpu.vector_load %arg7[%parallel_loop3A_447, %parallel_loop3A_448] {strides = array<i32>} : memref<128x192xf32, #tpu.memory_space<vmem>>, vector<1x16xf32>,
      %parallel_loop3A_450 = vector.shape_cast %parallel_loop3A_449 : vector<1x16xf32> to vector<16xf32>
      %parallel_loop3A_451 = vector.shape_cast %parallel_loop3A_446 : vector<16xf32> to vector<1x16xf32>
      tpu.vector_store %arg7[%parallel_loop3A_447, %parallel_loop3A_448], %parallel_loop3A_451 {strides = array<i32>} : memref<128x192xf32, #tpu.memory_space<vmem>>, vector<1x16xf32>,
      %parallel_loop3A_452 = arith.constant 3 : i32
      %parallel_loop3A_453 = arith.muli %parallel_loop3A_452, %parallel_loop3A_308 : i32
      %parallel_loop3A_454 = arith.constant 2 : i32
      %parallel_loop3A_455 = arith.addi %parallel_loop3A_453, %parallel_loop3A_454 : i32
      %parallel_loop3A_456 = arith.index_cast %parallel_loop3A_455 : i32 to index
      %parallel_loop3A_457 = arith.constant 48 : index
      %parallel_loop3A_458 = tpu.vector_load %arg6[%parallel_loop3A_456, %parallel_loop3A_457] {strides = array<i32>} : memref<384x128xf32, #tpu.memory_space<vmem>>, vector<1x16xf32>,
      %parallel_loop3A_459 = vector.shape_cast %parallel_loop3A_458 : vector<1x16xf32> to vector<16xf32>
      %parallel_loop3A_460 = arith.index_cast %parallel_loop3A_308 : i32 to index
      %parallel_loop3A_461 = arith.constant 176 : index
      %parallel_loop3A_462 = tpu.vector_load %arg7[%parallel_loop3A_460, %parallel_loop3A_461] {strides = array<i32>} : memref<128x192xf32, #tpu.memory_space<vmem>>, vector<1x16xf32>,
      %parallel_loop3A_463 = vector.shape_cast %parallel_loop3A_462 : vector<1x16xf32> to vector<16xf32>
      %parallel_loop3A_464 = vector.shape_cast %parallel_loop3A_459 : vector<16xf32> to vector<1x16xf32>
      tpu.vector_store %arg7[%parallel_loop3A_460, %parallel_loop3A_461], %parallel_loop3A_464 {strides = array<i32>} : memref<128x192xf32, #tpu.memory_space<vmem>>, vector<1x16xf32>,
    } {sc.loop_unroll_factor = 1 : i64, sc.parallel_access}
    %add3A_221 = arith.constant 256 : i32
    %add3A_222 = arith.addi %mul3A_2, %add3A_221 : i32
    %dma_start3A_223 = arith.constant 0 : i32
    %dma_start3A_224 = tpu.memref_slice %arg4[%add3A_222, %dma_start3A_223] : memref<16384x192xf32, #tpu.memory_space<hbm>> -> memref<128x192xf32, #tpu.memory_space<hbm>>
    %dma_start3A_225 = arith.constant 0 : i32
    %dma_start3A_226 = tpu.memref_slice %arg4[%add3A_222, %dma_start3A_225] : memref<16384x192xf32, #tpu.memory_space<hbm>> -> memref<128x192xf32, #tpu.memory_space<hbm>>
    tpu.enqueue_dma source(%arg7 : memref<128x192xf32, #tpu.memory_space<vmem>>) target(%dma_start3A_226 : memref<128x192xf32, #tpu.memory_space<hbm>>) target_semaphore(%arg9 : memref<!tpu.dma_semaphore, #tpu.memory_space<semaphore_mem>>)
    %mul3A_227 = arith.constant 4 : i32
    %mul3A_228 = arith.muli %add3A, %mul3A_227 : i32
    %add3A_229 = arith.constant 3 : i32
    %add3A_230 = arith.addi %mul3A_228, %add3A_229 : i32
    "tpu.region"() ({
      %run_scoped3A = tpu.sem_alloc : memref<!tpu.dma_semaphore, #tpu.memory_space<semaphore_mem>>
      %dma_start3A_308 = arith.constant 0 : i32
      %dma_start3A_309 = arith.constant 0 : i32
      %dma_start3A_310 = tpu.memref_slice %arg2[%add3A_230, %dma_start3A_308, %dma_start3A_309] : memref<128x3x128xi32, #tpu.memory_space<hbm>> -> memref<1x3x128xi32, #tpu.memory_space<hbm>>
      %dma_start3A_311 = tpu.memref_squeeze %dma_start3A_310 : memref<1x3x128xi32, #tpu.memory_space<hbm>> -> memref<3x128xi32, #tpu.memory_space<hbm>>
      %dma_start3A_312 = arith.constant 0 : i32
      %dma_start3A_313 = arith.constant 0 : i32
      %dma_start3A_314 = tpu.memref_slice %arg2[%add3A_230, %dma_start3A_312, %dma_start3A_313] : memref<128x3x128xi32, #tpu.memory_space<hbm>> -> memref<1x3x128xi32, #tpu.memory_space<hbm>>
      %dma_start3A_315 = tpu.memref_squeeze %dma_start3A_314 : memref<1x3x128xi32, #tpu.memory_space<hbm>> -> memref<3x128xi32, #tpu.memory_space<hbm>>
      tpu.enqueue_dma source(%dma_start3A_315 : memref<3x128xi32, #tpu.memory_space<hbm>>) target(%arg5 : memref<3x128xi32, #tpu.memory_space<vmem>>) target_semaphore(%run_scoped3A : memref<!tpu.dma_semaphore, #tpu.memory_space<semaphore_mem>>)
      %dma_wait3A_316 = arith.constant 0 : i32
      %dma_wait3A_317 = arith.constant 0 : i32
      %dma_wait3A_318 = tpu.memref_slice %arg2[%add3A_230, %dma_wait3A_316, %dma_wait3A_317] : memref<128x3x128xi32, #tpu.memory_space<hbm>> -> memref<1x3x128xi32, #tpu.memory_space<hbm>>
      %dma_wait3A_319 = tpu.memref_squeeze %dma_wait3A_318 : memref<1x3x128xi32, #tpu.memory_space<hbm>> -> memref<3x128xi32, #tpu.memory_space<hbm>>
      %dma_wait3A_320 = arith.constant 0 : i32
      %dma_wait3A_321 = arith.constant 0 : i32
      %dma_wait3A_322 = tpu.memref_slice %arg2[%add3A_230, %dma_wait3A_320, %dma_wait3A_321] : memref<128x3x128xi32, #tpu.memory_space<hbm>> -> memref<1x3x128xi32, #tpu.memory_space<hbm>>
      %dma_wait3A_323 = tpu.memref_squeeze %dma_wait3A_322 : memref<1x3x128xi32, #tpu.memory_space<hbm>> -> memref<3x128xi32, #tpu.memory_space<hbm>>
      tpu.wait_dma2 semaphore(%run_scoped3A : memref<!tpu.dma_semaphore, #tpu.memory_space<semaphore_mem>>) src(%dma_wait3A_323 : memref<3x128xi32, #tpu.memory_space<hbm>>) dst(%arg5 : memref<3x128xi32, #tpu.memory_space<vmem>>)
      tpu.yield
    }) : () -> ()
    %dma_start3A_231 = arith.constant 0 : i32
    %dma_start3A_232 = arith.constant 0 : i32
    %dma_start3A_233 = arith.constant 0 : i32
    %dma_start3A_234 = tpu.memref_slice %arg6[%dma_start3A_232, %dma_start3A_233] : memref<384x128xf32, #tpu.memory_space<vmem>> -> memref<128x128xf32, #tpu.memory_space<vmem>>
    %dma_start3A_235 = arith.constant 0 : i32
    %dma_start3A_236 = tpu.memref_slice %arg5[%dma_start3A_231, %dma_start3A_235] : memref<3x128xi32, #tpu.memory_space<vmem>> -> memref<1x128xi32, #tpu.memory_space<vmem>>
    %dma_start3A_237 = tpu.memref_squeeze %dma_start3A_236 : memref<1x128xi32, #tpu.memory_space<vmem>> -> memref<128xi32, #tpu.memory_space<vmem>>
    %dma_start3A_238 = arith.constant 0 : i32
    %dma_start3A_239 = arith.constant 0 : i32
    %dma_start3A_240 = tpu.memref_slice %arg3[%dma_start3A_238, %dma_start3A_239] : memref<2304x128xf32, #tpu.memory_space<hbm>> -> memref<2304x128xf32, #tpu.memory_space<hbm>>
    tpu.enqueue_indirect_dma source(%dma_start3A_240 : memref<2304x128xf32, #tpu.memory_space<hbm>>) target(%dma_start3A_234 : memref<128x128xf32, #tpu.memory_space<vmem>>) offsets(%dma_start3A_237 : memref<128xi32, #tpu.memory_space<vmem>>) semaphore(%arg8 : memref<!tpu.dma_semaphore, #tpu.memory_space<semaphore_mem>>)
    %dma_start3A_241 = arith.constant 1 : i32
    %dma_start3A_242 = arith.constant 128 : i32
    %dma_start3A_243 = arith.constant 0 : i32
    %dma_start3A_244 = tpu.memref_slice %arg6[%dma_start3A_242, %dma_start3A_243] : memref<384x128xf32, #tpu.memory_space<vmem>> -> memref<128x128xf32, #tpu.memory_space<vmem>>
    %dma_start3A_245 = arith.constant 0 : i32
    %dma_start3A_246 = tpu.memref_slice %arg5[%dma_start3A_241, %dma_start3A_245] : memref<3x128xi32, #tpu.memory_space<vmem>> -> memref<1x128xi32, #tpu.memory_space<vmem>>
    %dma_start3A_247 = tpu.memref_squeeze %dma_start3A_246 : memref<1x128xi32, #tpu.memory_space<vmem>> -> memref<128xi32, #tpu.memory_space<vmem>>
    %dma_start3A_248 = arith.constant 0 : i32
    %dma_start3A_249 = arith.constant 0 : i32
    %dma_start3A_250 = tpu.memref_slice %arg3[%dma_start3A_248, %dma_start3A_249] : memref<2304x128xf32, #tpu.memory_space<hbm>> -> memref<2304x128xf32, #tpu.memory_space<hbm>>
    tpu.enqueue_indirect_dma source(%dma_start3A_250 : memref<2304x128xf32, #tpu.memory_space<hbm>>) target(%dma_start3A_244 : memref<128x128xf32, #tpu.memory_space<vmem>>) offsets(%dma_start3A_247 : memref<128xi32, #tpu.memory_space<vmem>>) semaphore(%arg8 : memref<!tpu.dma_semaphore, #tpu.memory_space<semaphore_mem>>)
    %dma_start3A_251 = arith.constant 2 : i32
    %dma_start3A_252 = arith.constant 256 : i32
    %dma_start3A_253 = arith.constant 0 : i32
    %dma_start3A_254 = tpu.memref_slice %arg6[%dma_start3A_252, %dma_start3A_253] : memref<384x128xf32, #tpu.memory_space<vmem>> -> memref<128x128xf32, #tpu.memory_space<vmem>>
    %dma_start3A_255 = arith.constant 0 : i32
    %dma_start3A_256 = tpu.memref_slice %arg5[%dma_start3A_251, %dma_start3A_255] : memref<3x128xi32, #tpu.memory_space<vmem>> -> memref<1x128xi32, #tpu.memory_space<vmem>>
    %dma_start3A_257 = tpu.memref_squeeze %dma_start3A_256 : memref<1x128xi32, #tpu.memory_space<vmem>> -> memref<128xi32, #tpu.memory_space<vmem>>
    %dma_start3A_258 = arith.constant 0 : i32
    %dma_start3A_259 = arith.constant 0 : i32
    %dma_start3A_260 = tpu.memref_slice %arg3[%dma_start3A_258, %dma_start3A_259] : memref<2304x128xf32, #tpu.memory_space<hbm>> -> memref<2304x128xf32, #tpu.memory_space<hbm>>
    tpu.enqueue_indirect_dma source(%dma_start3A_260 : memref<2304x128xf32, #tpu.memory_space<hbm>>) target(%dma_start3A_254 : memref<128x128xf32, #tpu.memory_space<vmem>>) offsets(%dma_start3A_257 : memref<128xi32, #tpu.memory_space<vmem>>) semaphore(%arg8 : memref<!tpu.dma_semaphore, #tpu.memory_space<semaphore_mem>>)
    %dma_wait3A_261 = arith.constant 0 : i32
    %dma_wait3A_262 = arith.constant 0 : i32
    %dma_wait3A_263 = arith.constant 0 : i32
    %dma_wait3A_264 = tpu.memref_slice %arg6[%dma_wait3A_262, %dma_wait3A_263] : memref<384x128xf32, #tpu.memory_space<vmem>> -> memref<128x128xf32, #tpu.memory_space<vmem>>
    %dma_wait3A_265 = arith.constant 0 : i32
    %dma_wait3A_266 = tpu.memref_slice %arg5[%dma_wait3A_261, %dma_wait3A_265] : memref<3x128xi32, #tpu.memory_space<vmem>> -> memref<1x128xi32, #tpu.memory_space<vmem>>
    %dma_wait3A_267 = tpu.memref_squeeze %dma_wait3A_266 : memref<1x128xi32, #tpu.memory_space<vmem>> -> memref<128xi32, #tpu.memory_space<vmem>>
    %dma_wait3A_268 = arith.constant 0 : i32
    %dma_wait3A_269 = arith.constant 0 : i32
    %dma_wait3A_270 = tpu.memref_slice %arg3[%dma_wait3A_268, %dma_wait3A_269] : memref<2304x128xf32, #tpu.memory_space<hbm>> -> memref<2304x128xf32, #tpu.memory_space<hbm>>
    tpu.wait_indirect_dma semaphore(%arg8 : memref<!tpu.dma_semaphore, #tpu.memory_space<semaphore_mem>>) src(%dma_wait3A_270 : memref<2304x128xf32, #tpu.memory_space<hbm>>) dst(%dma_wait3A_264 : memref<128x128xf32, #tpu.memory_space<vmem>>)
    %dma_wait3A_271 = arith.constant 1 : i32
    %dma_wait3A_272 = arith.constant 128 : i32
    %dma_wait3A_273 = arith.constant 0 : i32
    %dma_wait3A_274 = tpu.memref_slice %arg6[%dma_wait3A_272, %dma_wait3A_273] : memref<384x128xf32, #tpu.memory_space<vmem>> -> memref<128x128xf32, #tpu.memory_space<vmem>>
    %dma_wait3A_275 = arith.constant 0 : i32
    %dma_wait3A_276 = tpu.memref_slice %arg5[%dma_wait3A_271, %dma_wait3A_275] : memref<3x128xi32, #tpu.memory_space<vmem>> -> memref<1x128xi32, #tpu.memory_space<vmem>>
    %dma_wait3A_277 = tpu.memref_squeeze %dma_wait3A_276 : memref<1x128xi32, #tpu.memory_space<vmem>> -> memref<128xi32, #tpu.memory_space<vmem>>
    %dma_wait3A_278 = arith.constant 0 : i32
    %dma_wait3A_279 = arith.constant 0 : i32
    %dma_wait3A_280 = tpu.memref_slice %arg3[%dma_wait3A_278, %dma_wait3A_279] : memref<2304x128xf32, #tpu.memory_space<hbm>> -> memref<2304x128xf32, #tpu.memory_space<hbm>>
    tpu.wait_indirect_dma semaphore(%arg8 : memref<!tpu.dma_semaphore, #tpu.memory_space<semaphore_mem>>) src(%dma_wait3A_280 : memref<2304x128xf32, #tpu.memory_space<hbm>>) dst(%dma_wait3A_274 : memref<128x128xf32, #tpu.memory_space<vmem>>)
    %dma_wait3A_281 = arith.constant 2 : i32
    %dma_wait3A_282 = arith.constant 256 : i32
    %dma_wait3A_283 = arith.constant 0 : i32
    %dma_wait3A_284 = tpu.memref_slice %arg6[%dma_wait3A_282, %dma_wait3A_283] : memref<384x128xf32, #tpu.memory_space<vmem>> -> memref<128x128xf32, #tpu.memory_space<vmem>>
    %dma_wait3A_285 = arith.constant 0 : i32
    %dma_wait3A_286 = tpu.memref_slice %arg5[%dma_wait3A_281, %dma_wait3A_285] : memref<3x128xi32, #tpu.memory_space<vmem>> -> memref<1x128xi32, #tpu.memory_space<vmem>>
    %dma_wait3A_287 = tpu.memref_squeeze %dma_wait3A_286 : memref<1x128xi32, #tpu.memory_space<vmem>> -> memref<128xi32, #tpu.memory_space<vmem>>
    %dma_wait3A_288 = arith.constant 0 : i32
    %dma_wait3A_289 = arith.constant 0 : i32
    %dma_wait3A_290 = tpu.memref_slice %arg3[%dma_wait3A_288, %dma_wait3A_289] : memref<2304x128xf32, #tpu.memory_space<hbm>> -> memref<2304x128xf32, #tpu.memory_space<hbm>>
    tpu.wait_indirect_dma semaphore(%arg8 : memref<!tpu.dma_semaphore, #tpu.memory_space<semaphore_mem>>) src(%dma_wait3A_290 : memref<2304x128xf32, #tpu.memory_space<hbm>>) dst(%dma_wait3A_284 : memref<128x128xf32, #tpu.memory_space<vmem>>)
    %dma_wait3A_291 = arith.constant 0 : i32
    %dma_wait3A_292 = tpu.memref_slice %arg4[%add3A_222, %dma_wait3A_291] : memref<16384x192xf32, #tpu.memory_space<hbm>> -> memref<128x192xf32, #tpu.memory_space<hbm>>
    %dma_wait3A_293 = arith.constant 0 : i32
    %dma_wait3A_294 = tpu.memref_slice %arg4[%add3A_222, %dma_wait3A_293] : memref<16384x192xf32, #tpu.memory_space<hbm>> -> memref<128x192xf32, #tpu.memory_space<hbm>>
    tpu.wait_dma2 semaphore(%arg9 : memref<!tpu.dma_semaphore, #tpu.memory_space<semaphore_mem>>) src(%arg7 : memref<128x192xf32, #tpu.memory_space<vmem>>) dst(%dma_wait3A_294 : memref<128x192xf32, #tpu.memory_space<hbm>>)
    %parallel_loop3A_295 = arith.constant 0 : i32
    %parallel_loop3A_296 = arith.constant 128 : i32
    %parallel_loop3A_297 = arith.constant 1 : i32
    scf.for %parallel_loop3A_308 = %parallel_loop3A_295 to %parallel_loop3A_296 step %parallel_loop3A_297  : i32 {
      %parallel_loop3A_309 = arith.constant 3 : i32
      %parallel_loop3A_310 = arith.muli %parallel_loop3A_309, %parallel_loop3A_308 : i32
      %parallel_loop3A_311 = arith.constant 0 : i32
      %parallel_loop3A_312 = arith.addi %parallel_loop3A_310, %parallel_loop3A_311 : i32
      %parallel_loop3A_313 = arith.index_cast %parallel_loop3A_312 : i32 to index
      %parallel_loop3A_314 = arith.constant 0 : index
      %parallel_loop3A_315 = tpu.vector_load %arg6[%parallel_loop3A_313, %parallel_loop3A_314] {strides = array<i32>} : memref<384x128xf32, #tpu.memory_space<vmem>>, vector<1x16xf32>,
      %parallel_loop3A_316 = vector.shape_cast %parallel_loop3A_315 : vector<1x16xf32> to vector<16xf32>
      %parallel_loop3A_317 = arith.index_cast %parallel_loop3A_308 : i32 to index
      %parallel_loop3A_318 = arith.constant 0 : index
      %parallel_loop3A_319 = tpu.vector_load %arg7[%parallel_loop3A_317, %parallel_loop3A_318] {strides = array<i32>} : memref<128x192xf32, #tpu.memory_space<vmem>>, vector<1x16xf32>,
      %parallel_loop3A_320 = vector.shape_cast %parallel_loop3A_319 : vector<1x16xf32> to vector<16xf32>
      %parallel_loop3A_321 = vector.shape_cast %parallel_loop3A_316 : vector<16xf32> to vector<1x16xf32>
      tpu.vector_store %arg7[%parallel_loop3A_317, %parallel_loop3A_318], %parallel_loop3A_321 {strides = array<i32>} : memref<128x192xf32, #tpu.memory_space<vmem>>, vector<1x16xf32>,
      %parallel_loop3A_322 = arith.constant 3 : i32
      %parallel_loop3A_323 = arith.muli %parallel_loop3A_322, %parallel_loop3A_308 : i32
      %parallel_loop3A_324 = arith.constant 0 : i32
      %parallel_loop3A_325 = arith.addi %parallel_loop3A_323, %parallel_loop3A_324 : i32
      %parallel_loop3A_326 = arith.index_cast %parallel_loop3A_325 : i32 to index
      %parallel_loop3A_327 = arith.constant 16 : index
      %parallel_loop3A_328 = tpu.vector_load %arg6[%parallel_loop3A_326, %parallel_loop3A_327] {strides = array<i32>} : memref<384x128xf32, #tpu.memory_space<vmem>>, vector<1x16xf32>,
      %parallel_loop3A_329 = vector.shape_cast %parallel_loop3A_328 : vector<1x16xf32> to vector<16xf32>
      %parallel_loop3A_330 = arith.index_cast %parallel_loop3A_308 : i32 to index
      %parallel_loop3A_331 = arith.constant 16 : index
      %parallel_loop3A_332 = tpu.vector_load %arg7[%parallel_loop3A_330, %parallel_loop3A_331] {strides = array<i32>} : memref<128x192xf32, #tpu.memory_space<vmem>>, vector<1x16xf32>,
      %parallel_loop3A_333 = vector.shape_cast %parallel_loop3A_332 : vector<1x16xf32> to vector<16xf32>
      %parallel_loop3A_334 = vector.shape_cast %parallel_loop3A_329 : vector<16xf32> to vector<1x16xf32>
      tpu.vector_store %arg7[%parallel_loop3A_330, %parallel_loop3A_331], %parallel_loop3A_334 {strides = array<i32>} : memref<128x192xf32, #tpu.memory_space<vmem>>, vector<1x16xf32>,
      %parallel_loop3A_335 = arith.constant 3 : i32
      %parallel_loop3A_336 = arith.muli %parallel_loop3A_335, %parallel_loop3A_308 : i32
      %parallel_loop3A_337 = arith.constant 0 : i32
      %parallel_loop3A_338 = arith.addi %parallel_loop3A_336, %parallel_loop3A_337 : i32
      %parallel_loop3A_339 = arith.index_cast %parallel_loop3A_338 : i32 to index
      %parallel_loop3A_340 = arith.constant 32 : index
      %parallel_loop3A_341 = tpu.vector_load %arg6[%parallel_loop3A_339, %parallel_loop3A_340] {strides = array<i32>} : memref<384x128xf32, #tpu.memory_space<vmem>>, vector<1x16xf32>,
      %parallel_loop3A_342 = vector.shape_cast %parallel_loop3A_341 : vector<1x16xf32> to vector<16xf32>
      %parallel_loop3A_343 = arith.index_cast %parallel_loop3A_308 : i32 to index
      %parallel_loop3A_344 = arith.constant 32 : index
      %parallel_loop3A_345 = tpu.vector_load %arg7[%parallel_loop3A_343, %parallel_loop3A_344] {strides = array<i32>} : memref<128x192xf32, #tpu.memory_space<vmem>>, vector<1x16xf32>,
      %parallel_loop3A_346 = vector.shape_cast %parallel_loop3A_345 : vector<1x16xf32> to vector<16xf32>
      %parallel_loop3A_347 = vector.shape_cast %parallel_loop3A_342 : vector<16xf32> to vector<1x16xf32>
      tpu.vector_store %arg7[%parallel_loop3A_343, %parallel_loop3A_344], %parallel_loop3A_347 {strides = array<i32>} : memref<128x192xf32, #tpu.memory_space<vmem>>, vector<1x16xf32>,
      %parallel_loop3A_348 = arith.constant 3 : i32
      %parallel_loop3A_349 = arith.muli %parallel_loop3A_348, %parallel_loop3A_308 : i32
      %parallel_loop3A_350 = arith.constant 0 : i32
      %parallel_loop3A_351 = arith.addi %parallel_loop3A_349, %parallel_loop3A_350 : i32
      %parallel_loop3A_352 = arith.index_cast %parallel_loop3A_351 : i32 to index
      %parallel_loop3A_353 = arith.constant 48 : index
      %parallel_loop3A_354 = tpu.vector_load %arg6[%parallel_loop3A_352, %parallel_loop3A_353] {strides = array<i32>} : memref<384x128xf32, #tpu.memory_space<vmem>>, vector<1x16xf32>,
      %parallel_loop3A_355 = vector.shape_cast %parallel_loop3A_354 : vector<1x16xf32> to vector<16xf32>
      %parallel_loop3A_356 = arith.index_cast %parallel_loop3A_308 : i32 to index
      %parallel_loop3A_357 = arith.constant 48 : index
      %parallel_loop3A_358 = tpu.vector_load %arg7[%parallel_loop3A_356, %parallel_loop3A_357] {strides = array<i32>} : memref<128x192xf32, #tpu.memory_space<vmem>>, vector<1x16xf32>,
      %parallel_loop3A_359 = vector.shape_cast %parallel_loop3A_358 : vector<1x16xf32> to vector<16xf32>
      %parallel_loop3A_360 = vector.shape_cast %parallel_loop3A_355 : vector<16xf32> to vector<1x16xf32>
      tpu.vector_store %arg7[%parallel_loop3A_356, %parallel_loop3A_357], %parallel_loop3A_360 {strides = array<i32>} : memref<128x192xf32, #tpu.memory_space<vmem>>, vector<1x16xf32>,
      %parallel_loop3A_361 = arith.constant 3 : i32
      %parallel_loop3A_362 = arith.muli %parallel_loop3A_361, %parallel_loop3A_308 : i32
      %parallel_loop3A_363 = arith.constant 1 : i32
      %parallel_loop3A_364 = arith.addi %parallel_loop3A_362, %parallel_loop3A_363 : i32
      %parallel_loop3A_365 = arith.index_cast %parallel_loop3A_364 : i32 to index
      %parallel_loop3A_366 = arith.constant 0 : index
      %parallel_loop3A_367 = tpu.vector_load %arg6[%parallel_loop3A_365, %parallel_loop3A_366] {strides = array<i32>} : memref<384x128xf32, #tpu.memory_space<vmem>>, vector<1x16xf32>,
      %parallel_loop3A_368 = vector.shape_cast %parallel_loop3A_367 : vector<1x16xf32> to vector<16xf32>
      %parallel_loop3A_369 = arith.index_cast %parallel_loop3A_308 : i32 to index
      %parallel_loop3A_370 = arith.constant 64 : index
      %parallel_loop3A_371 = tpu.vector_load %arg7[%parallel_loop3A_369, %parallel_loop3A_370] {strides = array<i32>} : memref<128x192xf32, #tpu.memory_space<vmem>>, vector<1x16xf32>,
      %parallel_loop3A_372 = vector.shape_cast %parallel_loop3A_371 : vector<1x16xf32> to vector<16xf32>
      %parallel_loop3A_373 = vector.shape_cast %parallel_loop3A_368 : vector<16xf32> to vector<1x16xf32>
      tpu.vector_store %arg7[%parallel_loop3A_369, %parallel_loop3A_370], %parallel_loop3A_373 {strides = array<i32>} : memref<128x192xf32, #tpu.memory_space<vmem>>, vector<1x16xf32>,
      %parallel_loop3A_374 = arith.constant 3 : i32
      %parallel_loop3A_375 = arith.muli %parallel_loop3A_374, %parallel_loop3A_308 : i32
      %parallel_loop3A_376 = arith.constant 1 : i32
      %parallel_loop3A_377 = arith.addi %parallel_loop3A_375, %parallel_loop3A_376 : i32
      %parallel_loop3A_378 = arith.index_cast %parallel_loop3A_377 : i32 to index
      %parallel_loop3A_379 = arith.constant 16 : index
      %parallel_loop3A_380 = tpu.vector_load %arg6[%parallel_loop3A_378, %parallel_loop3A_379] {strides = array<i32>} : memref<384x128xf32, #tpu.memory_space<vmem>>, vector<1x16xf32>,
      %parallel_loop3A_381 = vector.shape_cast %parallel_loop3A_380 : vector<1x16xf32> to vector<16xf32>
      %parallel_loop3A_382 = arith.index_cast %parallel_loop3A_308 : i32 to index
      %parallel_loop3A_383 = arith.constant 80 : index
      %parallel_loop3A_384 = tpu.vector_load %arg7[%parallel_loop3A_382, %parallel_loop3A_383] {strides = array<i32>} : memref<128x192xf32, #tpu.memory_space<vmem>>, vector<1x16xf32>,
      %parallel_loop3A_385 = vector.shape_cast %parallel_loop3A_384 : vector<1x16xf32> to vector<16xf32>
      %parallel_loop3A_386 = vector.shape_cast %parallel_loop3A_381 : vector<16xf32> to vector<1x16xf32>
      tpu.vector_store %arg7[%parallel_loop3A_382, %parallel_loop3A_383], %parallel_loop3A_386 {strides = array<i32>} : memref<128x192xf32, #tpu.memory_space<vmem>>, vector<1x16xf32>,
      %parallel_loop3A_387 = arith.constant 3 : i32
      %parallel_loop3A_388 = arith.muli %parallel_loop3A_387, %parallel_loop3A_308 : i32
      %parallel_loop3A_389 = arith.constant 1 : i32
      %parallel_loop3A_390 = arith.addi %parallel_loop3A_388, %parallel_loop3A_389 : i32
      %parallel_loop3A_391 = arith.index_cast %parallel_loop3A_390 : i32 to index
      %parallel_loop3A_392 = arith.constant 32 : index
      %parallel_loop3A_393 = tpu.vector_load %arg6[%parallel_loop3A_391, %parallel_loop3A_392] {strides = array<i32>} : memref<384x128xf32, #tpu.memory_space<vmem>>, vector<1x16xf32>,
      %parallel_loop3A_394 = vector.shape_cast %parallel_loop3A_393 : vector<1x16xf32> to vector<16xf32>
      %parallel_loop3A_395 = arith.index_cast %parallel_loop3A_308 : i32 to index
      %parallel_loop3A_396 = arith.constant 96 : index
      %parallel_loop3A_397 = tpu.vector_load %arg7[%parallel_loop3A_395, %parallel_loop3A_396] {strides = array<i32>} : memref<128x192xf32, #tpu.memory_space<vmem>>, vector<1x16xf32>,
      %parallel_loop3A_398 = vector.shape_cast %parallel_loop3A_397 : vector<1x16xf32> to vector<16xf32>
      %parallel_loop3A_399 = vector.shape_cast %parallel_loop3A_394 : vector<16xf32> to vector<1x16xf32>
      tpu.vector_store %arg7[%parallel_loop3A_395, %parallel_loop3A_396], %parallel_loop3A_399 {strides = array<i32>} : memref<128x192xf32, #tpu.memory_space<vmem>>, vector<1x16xf32>,
      %parallel_loop3A_400 = arith.constant 3 : i32
      %parallel_loop3A_401 = arith.muli %parallel_loop3A_400, %parallel_loop3A_308 : i32
      %parallel_loop3A_402 = arith.constant 1 : i32
      %parallel_loop3A_403 = arith.addi %parallel_loop3A_401, %parallel_loop3A_402 : i32
      %parallel_loop3A_404 = arith.index_cast %parallel_loop3A_403 : i32 to index
      %parallel_loop3A_405 = arith.constant 48 : index
      %parallel_loop3A_406 = tpu.vector_load %arg6[%parallel_loop3A_404, %parallel_loop3A_405] {strides = array<i32>} : memref<384x128xf32, #tpu.memory_space<vmem>>, vector<1x16xf32>,
      %parallel_loop3A_407 = vector.shape_cast %parallel_loop3A_406 : vector<1x16xf32> to vector<16xf32>
      %parallel_loop3A_408 = arith.index_cast %parallel_loop3A_308 : i32 to index
      %parallel_loop3A_409 = arith.constant 112 : index
      %parallel_loop3A_410 = tpu.vector_load %arg7[%parallel_loop3A_408, %parallel_loop3A_409] {strides = array<i32>} : memref<128x192xf32, #tpu.memory_space<vmem>>, vector<1x16xf32>,
      %parallel_loop3A_411 = vector.shape_cast %parallel_loop3A_410 : vector<1x16xf32> to vector<16xf32>
      %parallel_loop3A_412 = vector.shape_cast %parallel_loop3A_407 : vector<16xf32> to vector<1x16xf32>
      tpu.vector_store %arg7[%parallel_loop3A_408, %parallel_loop3A_409], %parallel_loop3A_412 {strides = array<i32>} : memref<128x192xf32, #tpu.memory_space<vmem>>, vector<1x16xf32>,
      %parallel_loop3A_413 = arith.constant 3 : i32
      %parallel_loop3A_414 = arith.muli %parallel_loop3A_413, %parallel_loop3A_308 : i32
      %parallel_loop3A_415 = arith.constant 2 : i32
      %parallel_loop3A_416 = arith.addi %parallel_loop3A_414, %parallel_loop3A_415 : i32
      %parallel_loop3A_417 = arith.index_cast %parallel_loop3A_416 : i32 to index
      %parallel_loop3A_418 = arith.constant 0 : index
      %parallel_loop3A_419 = tpu.vector_load %arg6[%parallel_loop3A_417, %parallel_loop3A_418] {strides = array<i32>} : memref<384x128xf32, #tpu.memory_space<vmem>>, vector<1x16xf32>,
      %parallel_loop3A_420 = vector.shape_cast %parallel_loop3A_419 : vector<1x16xf32> to vector<16xf32>
      %parallel_loop3A_421 = arith.index_cast %parallel_loop3A_308 : i32 to index
      %parallel_loop3A_422 = arith.constant 128 : index
      %parallel_loop3A_423 = tpu.vector_load %arg7[%parallel_loop3A_421, %parallel_loop3A_422] {strides = array<i32>} : memref<128x192xf32, #tpu.memory_space<vmem>>, vector<1x16xf32>,
      %parallel_loop3A_424 = vector.shape_cast %parallel_loop3A_423 : vector<1x16xf32> to vector<16xf32>
      %parallel_loop3A_425 = vector.shape_cast %parallel_loop3A_420 : vector<16xf32> to vector<1x16xf32>
      tpu.vector_store %arg7[%parallel_loop3A_421, %parallel_loop3A_422], %parallel_loop3A_425 {strides = array<i32>} : memref<128x192xf32, #tpu.memory_space<vmem>>, vector<1x16xf32>,
      %parallel_loop3A_426 = arith.constant 3 : i32
      %parallel_loop3A_427 = arith.muli %parallel_loop3A_426, %parallel_loop3A_308 : i32
      %parallel_loop3A_428 = arith.constant 2 : i32
      %parallel_loop3A_429 = arith.addi %parallel_loop3A_427, %parallel_loop3A_428 : i32
      %parallel_loop3A_430 = arith.index_cast %parallel_loop3A_429 : i32 to index
      %parallel_loop3A_431 = arith.constant 16 : index
      %parallel_loop3A_432 = tpu.vector_load %arg6[%parallel_loop3A_430, %parallel_loop3A_431] {strides = array<i32>} : memref<384x128xf32, #tpu.memory_space<vmem>>, vector<1x16xf32>,
      %parallel_loop3A_433 = vector.shape_cast %parallel_loop3A_432 : vector<1x16xf32> to vector<16xf32>
      %parallel_loop3A_434 = arith.index_cast %parallel_loop3A_308 : i32 to index
      %parallel_loop3A_435 = arith.constant 144 : index
      %parallel_loop3A_436 = tpu.vector_load %arg7[%parallel_loop3A_434, %parallel_loop3A_435] {strides = array<i32>} : memref<128x192xf32, #tpu.memory_space<vmem>>, vector<1x16xf32>,
      %parallel_loop3A_437 = vector.shape_cast %parallel_loop3A_436 : vector<1x16xf32> to vector<16xf32>
      %parallel_loop3A_438 = vector.shape_cast %parallel_loop3A_433 : vector<16xf32> to vector<1x16xf32>
      tpu.vector_store %arg7[%parallel_loop3A_434, %parallel_loop3A_435], %parallel_loop3A_438 {strides = array<i32>} : memref<128x192xf32, #tpu.memory_space<vmem>>, vector<1x16xf32>,
      %parallel_loop3A_439 = arith.constant 3 : i32
      %parallel_loop3A_440 = arith.muli %parallel_loop3A_439, %parallel_loop3A_308 : i32
      %parallel_loop3A_441 = arith.constant 2 : i32
      %parallel_loop3A_442 = arith.addi %parallel_loop3A_440, %parallel_loop3A_441 : i32
      %parallel_loop3A_443 = arith.index_cast %parallel_loop3A_442 : i32 to index
      %parallel_loop3A_444 = arith.constant 32 : index
      %parallel_loop3A_445 = tpu.vector_load %arg6[%parallel_loop3A_443, %parallel_loop3A_444] {strides = array<i32>} : memref<384x128xf32, #tpu.memory_space<vmem>>, vector<1x16xf32>,
      %parallel_loop3A_446 = vector.shape_cast %parallel_loop3A_445 : vector<1x16xf32> to vector<16xf32>
      %parallel_loop3A_447 = arith.index_cast %parallel_loop3A_308 : i32 to index
      %parallel_loop3A_448 = arith.constant 160 : index
      %parallel_loop3A_449 = tpu.vector_load %arg7[%parallel_loop3A_447, %parallel_loop3A_448] {strides = array<i32>} : memref<128x192xf32, #tpu.memory_space<vmem>>, vector<1x16xf32>,
      %parallel_loop3A_450 = vector.shape_cast %parallel_loop3A_449 : vector<1x16xf32> to vector<16xf32>
      %parallel_loop3A_451 = vector.shape_cast %parallel_loop3A_446 : vector<16xf32> to vector<1x16xf32>
      tpu.vector_store %arg7[%parallel_loop3A_447, %parallel_loop3A_448], %parallel_loop3A_451 {strides = array<i32>} : memref<128x192xf32, #tpu.memory_space<vmem>>, vector<1x16xf32>,
      %parallel_loop3A_452 = arith.constant 3 : i32
      %parallel_loop3A_453 = arith.muli %parallel_loop3A_452, %parallel_loop3A_308 : i32
      %parallel_loop3A_454 = arith.constant 2 : i32
      %parallel_loop3A_455 = arith.addi %parallel_loop3A_453, %parallel_loop3A_454 : i32
      %parallel_loop3A_456 = arith.index_cast %parallel_loop3A_455 : i32 to index
      %parallel_loop3A_457 = arith.constant 48 : index
      %parallel_loop3A_458 = tpu.vector_load %arg6[%parallel_loop3A_456, %parallel_loop3A_457] {strides = array<i32>} : memref<384x128xf32, #tpu.memory_space<vmem>>, vector<1x16xf32>,
      %parallel_loop3A_459 = vector.shape_cast %parallel_loop3A_458 : vector<1x16xf32> to vector<16xf32>
      %parallel_loop3A_460 = arith.index_cast %parallel_loop3A_308 : i32 to index
      %parallel_loop3A_461 = arith.constant 176 : index
      %parallel_loop3A_462 = tpu.vector_load %arg7[%parallel_loop3A_460, %parallel_loop3A_461] {strides = array<i32>} : memref<128x192xf32, #tpu.memory_space<vmem>>, vector<1x16xf32>,
      %parallel_loop3A_463 = vector.shape_cast %parallel_loop3A_462 : vector<1x16xf32> to vector<16xf32>
      %parallel_loop3A_464 = vector.shape_cast %parallel_loop3A_459 : vector<16xf32> to vector<1x16xf32>
      tpu.vector_store %arg7[%parallel_loop3A_460, %parallel_loop3A_461], %parallel_loop3A_464 {strides = array<i32>} : memref<128x192xf32, #tpu.memory_space<vmem>>, vector<1x16xf32>,
    } {sc.loop_unroll_factor = 1 : i64, sc.parallel_access}
    %add3A_298 = arith.constant 384 : i32
    %add3A_299 = arith.addi %mul3A_2, %add3A_298 : i32
    %dma_start3A_300 = arith.constant 0 : i32
    %dma_start3A_301 = tpu.memref_slice %arg4[%add3A_299, %dma_start3A_300] : memref<16384x192xf32, #tpu.memory_space<hbm>> -> memref<128x192xf32, #tpu.memory_space<hbm>>
    %dma_start3A_302 = arith.constant 0 : i32
    %dma_start3A_303 = tpu.memref_slice %arg4[%add3A_299, %dma_start3A_302] : memref<16384x192xf32, #tpu.memory_space<hbm>> -> memref<128x192xf32, #tpu.memory_space<hbm>>
    tpu.enqueue_dma source(%arg7 : memref<128x192xf32, #tpu.memory_space<vmem>>) target(%dma_start3A_303 : memref<128x192xf32, #tpu.memory_space<hbm>>) target_semaphore(%arg9 : memref<!tpu.dma_semaphore, #tpu.memory_space<semaphore_mem>>)
    %dma_wait3A_304 = arith.constant 0 : i32
    %dma_wait3A_305 = tpu.memref_slice %arg4[%add3A_299, %dma_wait3A_304] : memref<16384x192xf32, #tpu.memory_space<hbm>> -> memref<128x192xf32, #tpu.memory_space<hbm>>
    %dma_wait3A_306 = arith.constant 0 : i32
    %dma_wait3A_307 = tpu.memref_slice %arg4[%add3A_299, %dma_wait3A_306] : memref<16384x192xf32, #tpu.memory_space<hbm>> -> memref<128x192xf32, #tpu.memory_space<hbm>>
    tpu.wait_dma2 semaphore(%arg9 : memref<!tpu.dma_semaphore, #tpu.memory_space<semaphore_mem>>) src(%arg7 : memref<128x192xf32, #tpu.memory_space<vmem>>) dst(%dma_wait3A_307 : memref<128x192xf32, #tpu.memory_space<hbm>>)
    return
  }
}

</mosaic_0001>

<sc_bundles>
// kernel: kernel.3.cloned.1.call-start
scs
__scs_entry_jumppad:
0x0: {  	(pc) =	sbr.rel $0x88, $3  }
0x1: {  	(tag) =	ssettag $0x0;
	lr =	simm.s32 $0x1  }
0x2: {  	[smem:$0x3F9D] =	sst lr;
	_ =	strace $0xD0000000  }
0x3: {  	_ = 	snop  }
0x4: {  	_ = 	snop  }
0x5: {  	_ = 	snop  }
0x6: {  	_ = 	snop  }
0x7: {  	_ = 	snop  }
__scs_overlays_trampoline_lowered:
0x8: {  	[smem:$0x3FAC] =	sst s0  }
0x9: {  	[smem:$0x3FAD] =	sst s1  }
0xa: {  	[smem:$0x3FAE] =	sst s2  }
0xb: {  	[smem:$0x3FAF] =	sst s3  }
0xc: {  	[smem:$0x3FB0] =	sst s4  }
0xd: {  	[smem:$0x3FB1] =	sst s5  }
0xe: {  	[smem:$0x3FB2] =	sst s6  }
0xf: {  	[smem:$0x3FB3] =	sst s7  }
0x10: {  	[smem:$0x3FB4] =	sst s8  }
0x11: {  	[smem:$0x3FB5] =	sst s9;
	s0 =	simm.s32 @!p0 $0x0  }
0x12: {  	s1 =	sld [smem:$0x3F9B];
	s0 =	simm.s32 @p0 $0x1  }
0x13: {  	[smem:$0x3FB6] =	sst s0;
	s0 =	simm.s32 @!p1 $0x0  }
0x14: {  	s2 =	sld [smem:$0x3F9A];
	s0 =	simm.s32 @p1 $0x1  }
0x15: {  	[smem:$0x3FB7] =	sst s0;
	s0 =	simm.s32 @!p2 $0x0  }
0x16: {  	s3 =	sld [smem:$0x3FDB];
	s0 =	simm.s32 @p2 $0x1  }
0x17: {  	s4 =	simm.s32 $0x1BF5;
	[smem:$0x3FB9] =	sst s0  }
0x18: {  	s0 =	sld [smem:$0x3F9C];
	_ =	swait.ge [sflag:s4], $0x0  }
0x19: {  	s7 =	sld [smem:$0x3F9D]  }
0x1a: {  	s8 =	sadd.s32 $0xFFFFE003, lr  }
0x1b: {  	s9 =	sadd.s32 $0xFFFFFEF7, lr;
	s5 =	simm.s32 $0xFFFFFFFF;
	p2 =	slt.u32 s8, $0xFFFFF086  }
0x1c: {  	p1 =	slt.u32 s9, $0xF7A;
	s5 =	simm.s32 @!p2 $0x0  }
0x1d: {  	s5 =	simm.s32 @p1 $0x1;
	p0 =	seq.s32 s7, s2  }
0x1e: {  	s7 =	smul.u32 @!p0 $0xF7A, s2;
	p2 =	seq.s32 @!p0 s5, $0x0  }
0x1f: {  	s9 =	smul.u32 $0xF7A, s1;
	s8 =	simm.s32 @!p0 $0x1BF5;
	p2 =	por !p2, p0  }
0x20: {  	[sflag:s8] =	ssyncset.s32 @!p0 $0xFFFFF086;
	s6 =	sadd.s32 @!p0 s3, s7;
	s7 =	simm.s32 @!p0 $0x108  }
0x21: {  	s3 =	sadd.s32 s3, s9;
	s6 =	sadd.s32 @!p0 $0x88, s6;
	s7 =	simm.s32 @p2 $0x1082  }
0x22: {  	[simem:s7], [sflag:s8] =	dma.local @!p0 [hbm:s6], $0xF7A  }
0x23: {  	s9 =	sor.u32 $0xD0000000, s2;
	s6 =	simm.s32 $0x108;
	_ =	swait.ge @!p0 [sflag:s8], $0x0  }
0x24: {  	s3 =	sadd.s32 $0x88, s3;
	s6 =	simm.s32 @!p1 $0x1082;
	[sflag:s4] =	ssyncset.s32 $0xFFFFF086  }
0x25: {  	[simem:s6], [sflag:s4] =	dma.local [hbm:s3], $0xF7A  }
0x26: {  	[smem:$0x3F9D] =	sst s1;
	(tag) =	ssettag s2;
	_ =	strace s9  }
0x27: {  	s1 =	sld [smem:$0x3FAD]  }
0x28: {  	s2 =	sld [smem:$0x3FAE]  }
0x29: {  	s4 =	sld [smem:$0x3FB0]  }
0x2a: {  	p0 =	seq.s32 s5, $0x0;
	s5 =	sld [smem:$0x3FB1]  }
0x2b: {  	s6 =	sld [smem:$0x3FB2]  }
0x2c: {  	s7 =	sld [smem:$0x3FB3]  }
0x2d: {  	s3 =	simm.s32 $0x108;
	s8 =	sld [smem:$0x3FB4]  }
0x2e: {  	s3 =	simm.s32 @!p0 $0x1082;
	s9 =	sld [smem:$0x3FB5]  }
0x2f: {  	lr =	sadd.s32 s0, s3;
	s0 =	sld [smem:$0x3FAC]  }
0x30: {  	s3 =	sld [smem:$0x3FAF]  }
0x31: {  	[smem:$0x3FB8] =	sst s10  }
0x32: {  	s10 =	sld [smem:$0x3FB6];
	_ =	sdelay $0x3  }
0x33: {  	p0 =	seq.s32 s10, $0x1;
	s10 =	sld [smem:$0x3FB8];
	_ =	sdelay $0x3  }
0x34: {  	[smem:$0x3FB8] =	sst s10  }
0x35: {  	s10 =	sld [smem:$0x3FB7];
	_ =	sdelay $0x3  }
0x36: {  	p1 =	seq.s32 s10, $0x1;
	s10 =	sld [smem:$0x3FB8];
	_ =	sdelay $0x3  }
0x37: {  	[smem:$0x3FB8] =	sst s10  }
0x38: {  	s10 =	sld [smem:$0x3FB9]  }
0x39: {  	_ = 	snop;
	(pc) =	sbr.ind lr, $3  }
0x3a: {  	_ = 	snop  }
0x3b: {  	_ = 	snop  }
0x3c: {  	p2 =	seq.s32 s10, $0x1;
	s10 =	sld [smem:$0x3FB8]  }
0x3d: {  	_ =	shalt  }
0x3e: {  	_ =	shalt  }
0x3f: {  	_ =	shalt  }
0x40: {  	_ =	shalt  }
0x41: {  	_ =	shalt  }
0x42: {  	_ =	shalt  }
0x43: {  	_ =	shalt  }
0x44: {  	_ =	shalt  }
0x45: {  	_ =	shalt  }
0x46: {  	_ =	shalt  }
0x47: {  	_ =	shalt  }
0x48: {  	_ =	shalt  }
0x49: {  	_ =	shalt  }
0x4a: {  	_ =	shalt  }
0x4b: {  	_ =	shalt  }
0x4c: {  	_ =	shalt  }
0x4d: {  	_ =	shalt  }
0x4e: {  	_ =	shalt  }
0x4f: {  	_ =	shalt  }
0x50: {  	_ =	shalt  }
0x51: {  	_ =	shalt  }
0x52: {  	_ =	shalt  }
0x53: {  	_ =	shalt  }
0x54: {  	_ =	shalt  }
0x55: {  	_ =	shalt  }
0x56: {  	_ =	shalt  }
0x57: {  	_ =	shalt  }
0x58: {  	_ =	shalt  }
0x59: {  	_ =	shalt  }
0x5a: {  	_ =	shalt  }
0x5b: {  	_ =	shalt  }
0x5c: {  	_ =	shalt  }
0x5d: {  	_ =	shalt  }
0x5e: {  	_ =	shalt  }
0x5f: {  	_ =	shalt  }
0x60: {  	_ =	shalt  }
0x61: {  	_ =	shalt  }
0x62: {  	_ =	shalt  }
0x63: {  	_ =	shalt  }
0x64: {  	_ =	shalt  }
0x65: {  	_ =	shalt  }
0x66: {  	_ =	shalt  }
0x67: {  	_ =	shalt  }
0x68: {  	_ =	shalt  }
0x69: {  	_ =	shalt  }
0x6a: {  	_ =	shalt  }
0x6b: {  	_ =	shalt  }
0x6c: {  	_ =	shalt  }
0x6d: {  	_ =	shalt  }
0x6e: {  	_ =	shalt  }
0x6f: {  	_ =	shalt  }
0x70: {  	_ =	shalt  }
0x71: {  	_ =	shalt  }
0x72: {  	_ =	shalt  }
0x73: {  	_ =	shalt  }
0x74: {  	_ =	shalt  }
0x75: {  	_ =	shalt  }
0x76: {  	_ =	shalt  }
0x77: {  	_ =	shalt  }
0x78: {  	_ =	shalt  }
0x79: {  	_ =	shalt  }
0x7a: {  	_ =	shalt  }
0x7b: {  	_ =	shalt  }
0x7c: {  	_ =	shalt  }
0x7d: {  	_ =	shalt  }
0x7e: {  	_ =	shalt  }
0x7f: {  	_ =	shalt  }
0x80: {  	_ =	shalt  }
0x81: {  	_ =	shalt  }
0x82: {  	_ =	shalt  }
0x83: {  	_ =	shalt  }
0x84: {  	_ =	shalt  }
0x85: {  	_ =	shalt  }
0x86: {  	_ =	shalt  }
0x87: {  	_ =	shalt  }
.Lfunc_end0:
.L_simem_size_0:
called_computation_lowered:
.L_overlay_start_0:
0x88: {  	s2 =	sld [smem:$0x3FD9]  }
0x89: {  	s3 =	sld [smem:$0x3FFE];
	_ =	sdelay $0x1  }
0x8a: {  	s1 =	srdreg.scid  }
0x8b: {  	s0 =	sand.u32 $0x1, s1  }
0x8c: {  	s17 =	sshll.u32 s0, $0xA;
	s2 =	sadd.s32 s3, s2  }
0x8d: {  	s2 =	sadd.s32 s2, s17  }
0x8e: {  	[smem:$0x3FC4] =	sst s2  }
0x8f: {  	_ = 	snop  }
0x90: {  	s2 =	sld [smem:$0x3FD0];
	(tm) =	ssettm $0x1  }
0x91: {  	s18 =	sld [smem:$0x3FFB];
	_ =	sdelay $0x3  }
0x92: {  	_ =	strace s18  }
0x93: {  	s3 =	sld [smem:$0x3FFC];
	_ =	sdelay $0x3  }
0x94: {  	_ =	strace s3  }
0x95: {  	s3 =	sld [smem:$0x3FFD];
	_ =	sdelay $0x3  }
0x96: {  	_ =	strace s3  }
0x97: {  	_ =	strace $0x8FFFFFFF  }
0x98: {  	s19 =	sld [smem:$0x3FDB];
	_ =	sdelay $0x1  }
0x99: {  	s4 =	simm.s32 $_scs_section_size  }
0x9a: {  	s5 =	simm.s32 $_size__tile_overlayer_lowered;
	s6 =	simm.s32 $_tile_overlayer_lowered  }
0x9b: {  	s22 =	simm.s32 $0x1BFF;
	s21 =	sshll.u32 s6, $0x1;
	s3 =	sadd.s32 s4, s19  }
0x9c: {  	s7 =	simm.s32 $0x0;
	s20 =	sshll.u32 s5, $0x1;
	s5 =	sadd.s32 s21, s3  }
0x9d: {  	[timem:s7], [sflag:s22] =	dma.local [hbm:s5], s20  }
0x9e: {  	_ =	swait.ge [sflag:s22], s20  }
0x9f: {  	s4 =	ssub.s32 $0x0, s20;
	[sflag:s22] =	ssyncset.done $0x0  }
0xa0: {  	[sflag:s22] =	ssyncadd.s32 s4;
	_ =	sdelay $0x1  }
0xa1: {  	s23 =	simm.s32 $0x1B8B  }
0xa2: {  	_ =	swait.ge [sflag:s23], $0x1  }
0xa3: {  	[sflag:s23] =	ssyncset.done $0x0  }
0xa4: {  	s25 =	simm.s32 $0x1B8E;
	s24 =	sld [smem:$0x3FFE];
	[sflag:s23] =	ssyncadd.s32 $0xFFFFFFFF  }
0xa5: {  	s26 =	simm.s32 $execute0_lowered;
	[smem:$0x3FD2] =	sst s25  }
0xa6: {  	s5 =	sshll.u32 s26, $0x1;
	_ =	strace $0x80000046;
	[dreg:$0x1] =	wrdreg $0xFFFFFFFF  }
0xa7: {  	s28 =	simm.s32 $_size_execute0_lowered;
	s3 =	sadd.s32 s3, s5;
	[dreg:$0x0] =	wrdreg $0x0  }
0xa8: {  	s5 =	sshll.u32 s28, $0x1;
	[dreg:$0x2] =	wrdreg s3  }
0xa9: {  	[dreg:$0x3] =	wrdreg s5  }
0xaa: {  	[dreg:$0x4] =	wrdreg $0xC0  }
0xab: {  	_ =	task [dreg:s7], $0x5FFFF  }
0xac: {  	[dreg:$0x1] =	wrdreg $0xFFFFFFFF  }
0xad: {  	[dreg:$0x0] =	wrdreg $0x60  }
0xae: {  	[dreg:$0x2] =	wrdreg s24  }
0xaf: {  	[dreg:$0x3] =	wrdreg s2  }
0xb0: {  	[dreg:$0x4] =	wrdreg $0x9  }
0xb1: {  	_ =	task.clear_ibuf [dreg:s7], $0x5FFFF;
	_ =	strace $0x90000046  }
0xb2: {  	s29 =	simm.s32 $0x9;
	_ =	strace $0x80000048  }
0xb3: {  	_ =	swait.ge [sflag:s29], $0x1  }
0xb4: {  	[sflag:s29] =	ssyncadd.s32 $0xFFFFFFFF  }
0xb5: {  	_ =	strace $0x90000048  }
0xb6: {  	_ =	sfence  }
0xb7: {  	s30 =	sld [smem:$0x0];
	_ =	sdelay $0x2  }
0xb8: {  	s31 =	sshll.u32 s1, $0xD;
	s1 =	sshrl.u32 s1, $0x2  }
0xb9: {  	s3 =	sand.u32 $0x4000, s31;
	s1 =	sadd.s32 s1, s30  }
0xba: {  	s0 =	sor.u32 s3, s0;
	s1 =	sshll.u32 s1, $0x11  }
0xbb: {  	s0 =	sor.u32 s1, s0  }
0xbc: {  	s0 =	sadd.s32 $0x8F2B, s0  }
0xbd: {  	[sflag:s0] =	ssyncadd.remote.s32 $0x1  }
0xbe: {  	_ =	sfence.sel $0xFFFF  }
0xbf: {  	[dreg:$0x0] =	wrdreg $0xFFFFFFFF;
	(pc) =	sbr.abs _section_cstart, $3  }
0xc0: {  	[dreg:$0x1] =	wrdreg $0xFFFFFFFF  }
0xc1: {  	_ =	task.clear_ibuf [dreg:s7], $0x2FFFF;
	_ =	strace $0x9FFFFFFF  }
0xc2: {  	(tm) =	ssettm $0x7FFFFFFF  }
0xc3: {  	_ =	shalt  }
tec
execute0_lowered:
.L_overlay_start_1:
0x0: {  	(tag) =	ssettag $0x1  }
0x1: {  	s0 =	rddreg [dreg:$0x0]  }
0x2: {  	s2 =	rddreg [dreg:$0x1]  }
0x3: {  	s1 =	srdreg.scid;
	s4 =	stileid.u32  }
0x4: {  	s3 =	simm.s32 $0x0;
	s13 =	simm.s32 $0x3;
	s14 =	simm.s32 $0x80  }
0x5: {  	s15 =	simm.s32 $0x200;
	s1 =	sand.u32 $0x1, s1;
	s4 =	sshll.u32 s4, $0x1  }
0x6: {  	s16 =	simm.s32 $0x4200;
	s17 =	simm.s32 $0x100;
	s4 =	sor.u32 s1, s4  }
0x7: {  	s18 =	simm.s32 $0x8200;
	s19 =	simm.s32 $0x1;
	s5 =	sshll.u32 s4, $0x8  }
0x8: {  	s20 =	simm.s32 $0xC200;
	s4 =	sshll.u32 s4, $0xE;
	s5 =	sadd.s32 s5, s0  }
0x9: {  	[smem:$0x7FF] =	sst s3;
	s0 =	sadd.s32 s4, s0;
	s24 =	sadd.s32 $0xA00, s5  }
0xa: {  	_ =	strace $0x80000047;
	s25 =	sadd.s32 $0x2A00, s0;
	[dreg:$0x3] =	wrdreg s24  }
0xb: {  	s21 =	simm.s32 $0x2;
	s26 =	sadd.s32 $0xA40, s5;
	[dreg:$0x4] =	wrdreg s25  }
0xc: {  	s22 =	simm.s32 $0x0;
	s28 =	sadd.s32 $0x3A00, s0;
	[dreg:$0x5] =	wrdreg s26  }
0xd: {  	s1 =	ssub.s32 $0x2, s1;
	s29 =	sadd.s32 $0xA80, s5;
	[dreg:$0x6] =	wrdreg s28  }
0xe: {  	s6 =	sshrl.u32 s1, $0x1;
	s30 =	sadd.s32 $0x4A00, s0;
	[dreg:$0x7] =	wrdreg s29  }
0xf: {  	s1 =	ssub.s32 s1, s6;
	s31 =	sadd.s32 $0xAC0, s5;
	[dreg:$0x8] =	wrdreg s30  }
0x10: {  	s11 =	sadd.s32 $0x5A00, s0;
	s12 =	smax.u32 s1, $0x1;
	[dreg:$0x9] =	wrdreg s31  }
.LBB2_1:
0x11: {  	s0 =	rddreg [dreg:$0x3]  }
0x12: {  	[tilespmem:s3], [sflag:$0x3] =	stream.linear.gather [hbm4b:s0+s3], $0x180, $0x38;
	[tilespmem:$0x14200] =	vst v63  }
0x13: {  	_ =	swait.ge [sflag:s13], $0x180  }
0x14: {  	[sflag:s13] =	ssyncset.done $0x0  }
0x15: {  	[sflag:s13] =	ssyncadd.s32 $0xFFFFFE80  }
0x16: {  	[tilespmem:s15], [sflag:$0x1] =	stream.indirect.gather [hbm4b:s2+s14], $0x80, s3, s14, $0xb8;
	[tilespmem:$0x14200] =	vst v63  }
0x17: {  	_ = 	snop  }
0x18: {  	[tilespmem:s16], [sflag:$0x1] =	stream.indirect.gather [hbm4b:s2+s14], $0x80, s14, s14, $0xb8;
	[tilespmem:$0x14200] =	vst v63  }
0x19: {  	_ = 	snop  }
0x1a: {  	[tilespmem:s18], [sflag:$0x1] =	stream.indirect.gather [hbm4b:s2+s14], $0x80, s17, s14, $0xb8;
	[tilespmem:$0x14200] =	vst v63  }
0x1b: {  	_ =	swait.ge [sflag:s19], $0x4000  }
0x1c: {  	[sflag:s19] =	ssyncset.done $0x0  }
0x1d: {  	[sflag:s19] =	ssyncadd.s32 $0xFFFFC000  }
0x1e: {  	_ =	swait.ge [sflag:s19], $0x4000  }
0x1f: {  	[sflag:s19] =	ssyncset.done $0x0  }
0x20: {  	[sflag:s19] =	ssyncadd.s32 $0xFFFFC000  }
0x21: {  	_ =	swait.ge [sflag:s19], $0x4000  }
0x22: {  	[sflag:s19] =	ssyncset.done $0x0  }
0x23: {  	s24 =	simm.s32 $0x2A0;
	[sflag:s19] =	ssyncadd.s32 $0xFFFFC000  }
0x24: {  	v0 =	vld [tilespmem:s24+$0xFFFFFF60];
	_ =	sdelay $0x2  }
0x25: {  	s26 =	sand.u32 $0x7800, s3;
	s1 =	sand.u32 $0x380, s3  }
0x26: {  	s23 =	sor.u32 s1, s26  }
0x27: {  	[tilespmem:s23+$0xC200] =	vst v0  }
0x28: {  	v0 =	vld [tilespmem:s24+$0xFFFFFF70];
	_ =	sdelay $0x3  }
0x29: {  	s26 =	simm.s32 $0x420  }
0x2a: {  	[tilespmem:s23+$0xC210] =	vst v0;
	v0 =	vld [tilespmem:s26+$0xFFFFFF60]  }
0x2b: {  	v1 =	vld [tilespmem:s24+$0xFFFFFF80]  }
0x2c: {  	s4 =	simm.s32 $0x80;
	s1 =	simm.s32 $0x100  }
0x2d: {  	s0 =	sand.u32 $0x7800, s1;
	s1 =	sand.u32 $0x380, s4  }
0x2e: {  	s25 =	sor.u32 s1, s0  }
0x2f: {  	[tilespmem:s25+$0xC200] =	vst v0  }
0x30: {  	v0 =	vld [tilespmem:s26+$0xFFFFFF70];
	[tilespmem:s23+$0xC220] =	vst v1  }
0x31: {  	v1 =	vld [tilespmem:s24+$0xFFFFFF90];
	_ =	sdelay $0x2  }
0x32: {  	s28 =	simm.s32 $0x5A0  }
0x33: {  	[tilespmem:s25+$0xC210] =	vst v0;
	v0 =	vld [tilespmem:s28+$0xFFFFFF60]  }
0x34: {  	[tilespmem:s23+$0xC230] =	vst v1;
	v1 =	vld [tilespmem:s26+$0xFFFFFF80]  }
0x35: {  	s5 =	simm.s32 $0x200;
	s6 =	simm.s32 $0x100;
	v2 =	vld [tilespmem:s24+$0xFFFFFFE0]  }
0x36: {  	s0 =	sand.u32 $0x7800, s5;
	s1 =	sand.u32 $0x380, s6  }
0x37: {  	s29 =	sor.u32 s1, s0  }
0x38: {  	[tilespmem:s29+$0xC200] =	vst v0  }
0x39: {  	v0 =	vld [tilespmem:s28+$0xFFFFFF70];
	[tilespmem:s25+$0xC220] =	vst v1  }
0x3a: {  	v1 =	vld [tilespmem:s26+$0xFFFFFF90];
	[tilespmem:s23+$0xC240] =	vst v2  }
0x3b: {  	v2 =	vld [tilespmem:s24+$0xFFFFFFF0];
	_ =	sdelay $0x1  }
0x3c: {  	s30 =	simm.s32 $0x720  }
0x3d: {  	[tilespmem:s29+$0xC210] =	vst v0;
	v0 =	vld [tilespmem:s30+$0xFFFFFF60]  }
0x3e: {  	[tilespmem:s25+$0xC230] =	vst v1;
	v1 =	vld [tilespmem:s28+$0xFFFFFF80]  }
0x3f: {  	s7 =	simm.s32 $0x300;
	s8 =	simm.s32 $0x180;
	[tilespmem:s23+$0xC250] =	vst v2;
	v2 =	vld [tilespmem:s26+$0xFFFFFFE0]  }
0x40: {  	s0 =	sand.u32 $0x7800, s7;
	s1 =	sand.u32 $0x380, s8;
	v3 =	vld [tilespmem:s24+$0x0]  }
0x41: {  	s31 =	sor.u32 s1, s0  }
0x42: {  	[tilespmem:s31+$0xC200] =	vst v0  }
0x43: {  	v0 =	vld [tilespmem:s30+$0xFFFFFF70];
	[tilespmem:s29+$0xC220] =	vst v1  }
0x44: {  	v1 =	vld [tilespmem:s28+$0xFFFFFF90];
	[tilespmem:s25+$0xC240] =	vst v2  }
0x45: {  	v2 =	vld [tilespmem:s26+$0xFFFFFFF0];
	[tilespmem:s23+$0xC260] =	vst v3  }
0x46: {  	v3 =	vld [tilespmem:s24+$0x10]  }
0x47: {  	s0 =	simm.s32 $0x8A0  }
0x48: {  	[tilespmem:s31+$0xC210] =	vst v0;
	v0 =	vld [tilespmem:s0+$0xFFFFFF60]  }
0x49: {  	[tilespmem:s29+$0xC230] =	vst v1;
	v1 =	vld [tilespmem:s30+$0xFFFFFF80]  }
0x4a: {  	s9 =	simm.s32 $0x400;
	s4 =	simm.s32 $0x200;
	[tilespmem:s25+$0xC250] =	vst v2;
	v2 =	vld [tilespmem:s28+$0xFFFFFFE0]  }
0x4b: {  	s4 =	sand.u32 $0x380, s4;
	s1 =	sand.u32 $0x7800, s9;
	[tilespmem:s23+$0xC270] =	vst v3;
	v3 =	vld [tilespmem:s26+$0x0]  }
0x4c: {  	s1 =	sor.u32 s4, s1;
	v4 =	vld [tilespmem:s24+$0x60]  }
0x4d: {  	[tilespmem:s1+$0xC200] =	vst v0  }
0x4e: {  	v0 =	vld [tilespmem:s0+$0xFFFFFF70];
	[tilespmem:s31+$0xC220] =	vst v1  }
0x4f: {  	v1 =	vld [tilespmem:s30+$0xFFFFFF90];
	[tilespmem:s29+$0xC240] =	vst v2  }
0x50: {  	v2 =	vld [tilespmem:s28+$0xFFFFFFF0];
	[tilespmem:s25+$0xC260] =	vst v3  }
0x51: {  	v5 =	vld [tilespmem:s26+$0x10];
	[tilespmem:s23+$0xC600] =	vst v4  }
0x52: {  	s6 =	simm.s32 $0xA20;
	v6 =	vld [tilespmem:s24+$0x70]  }
0x53: {  	[tilespmem:s1+$0xC210] =	vst v0;
	v0 =	vld [tilespmem:s6+$0xFFFFFF60]  }
0x54: {  	[tilespmem:s31+$0xC230] =	vst v1;
	v4 =	vld [tilespmem:s0+$0xFFFFFF80]  }
0x55: {  	s10 =	simm.s32 $0x500;
	s7 =	simm.s32 $0x280;
	[tilespmem:s29+$0xC250] =	vst v2;
	v3 =	vld [tilespmem:s30+$0xFFFFFFE0]  }
0x56: {  	s5 =	sand.u32 $0x380, s7;
	s4 =	sand.u32 $0x7800, s10;
	[tilespmem:s25+$0xC270] =	vst v5;
	v2 =	vld [tilespmem:s28+$0x0]  }
0x57: {  	s5 =	sor.u32 s5, s4;
	[tilespmem:s23+$0xC610] =	vst v6;
	v1 =	vld [tilespmem:s26+$0x60]  }
0x58: {  	s8 =	simm.s32 $0x600;
	s4 =	simm.s32 $0xA20;
	[tilespmem:s5+$0xC200] =	vst v0;
	v0 =	vld [tilespmem:s24+$0x80]  }
.LBB2_2:
0x59: {  	p0 =	sne.s32 s8, $0x7F00;
	v5 =	vld [tilespmem:s6+$0xFFFFFF70];
	[tilespmem:s1+$0xC220] =	vst v4;
	s9 =	smov.u32 s1;
	s1 =	smov.u32 s5  }
0x5a: {  	v4 =	vld [tilespmem:s0+$0xFFFFFF90];
	[tilespmem:s31+$0xC240] =	vst v3  }
0x5b: {  	v3 =	vld [tilespmem:s30+$0xFFFFFFF0];
	[tilespmem:s29+$0xC260] =	vst v2  }
0x5c: {  	v2 =	vld [tilespmem:s28+$0x10];
	[tilespmem:s25+$0xC600] =	vst v1  }
0x5d: {  	v1 =	vld [tilespmem:s26+$0x70];
	[tilespmem:s23+$0xC620] =	vst v0  }
0x5e: {  	s6 =	sadd.s32 $0x180, s6;
	[tilespmem:s1+$0xC210] =	vst v5;
	v0 =	vld [tilespmem:s24+$0x90];
	s24 =	smov.u32 s26;
	s26 =	smov.u32 s28  }
0x5f: {  	s28 =	smov.u32 s30;
	s30 =	smov.u32 s0;
	s0 =	smov.u32 s4;
	v5 =	vld [tilespmem:s6+$0xFFFFFF60];
	[tilespmem:s9+$0xC230] =	vst v4  }
.Ltmp0:
0x60: {  	s4 =	smov.u32 s6;
	v4 =	vld [tilespmem:s0+$0xFFFFFF80];
	[tilespmem:s31+$0xC250] =	vst v3;
	(pc) =	sbr.rel @p0 .LBB2_2-.Ltmp0, $4  }
0x61: {  	s7 =	sadd.s32 $0x80, s7;
	v3 =	vld [tilespmem:s30+$0xFFFFFFE0];
	[tilespmem:s29+$0xC270] =	vst v2  }
0x62: {  	s5 =	sand.u32 $0x7800, s8;
	s10 =	sand.u32 $0x380, s7;
	v2 =	vld [tilespmem:s28+$0x0];
	[tilespmem:s25+$0xC610] =	vst v1  }
0x63: {  	s5 =	sor.u32 s10, s5;
	v1 =	vld [tilespmem:s26+$0x60];
	[tilespmem:s23+$0xC630] =	vst v0;
	s23 =	smov.u32 s25;
	s25 =	smov.u32 s29  }
0x64: {  	s8 =	sadd.s32 $0x100, s8;
	s29 =	smov.u32 s31;
	s31 =	smov.u32 s9;
	[tilespmem:s5+$0xC200] =	vst v5;
	v0 =	vld [tilespmem:s24+$0x80]  }
0x65: {  	v5 =	vld [tilespmem:s6+$0xFFFFFF70];
	_ =	sdelay $0x4  }
0x66: {  	[tilespmem:s5+$0xC210] =	vst v5  }
0x67: {  	v5 =	vld [tilespmem:s4+$0xFFFFFF80];
	_ =	sdelay $0x2  }
0x68: {  	[tilespmem:s1+$0xC220] =	vst v4  }
0x69: {  	v4 =	vld [tilespmem:s0+$0xFFFFFF90]  }
0x6a: {  	[tilespmem:s5+$0xC220] =	vst v5  }
0x6b: {  	v5 =	vld [tilespmem:s4+$0xFFFFFF90];
	_ =	sdelay $0x2  }
0x6c: {  	[tilespmem:s1+$0xC230] =	vst v4  }
0x6d: {  	v4 =	vld [tilespmem:s0+$0xFFFFFFE0]  }
0x6e: {  	[tilespmem:s5+$0xC230] =	vst v5  }
0x6f: {  	v5 =	vld [tilespmem:s4+$0xFFFFFFE0];
	_ =	sdelay $0x1  }
0x70: {  	[tilespmem:s31+$0xC240] =	vst v3  }
0x71: {  	v3 =	vld [tilespmem:s30+$0xFFFFFFF0];
	[tilespmem:s1+$0xC240] =	vst v4  }
0x72: {  	v4 =	vld [tilespmem:s0+$0xFFFFFFF0]  }
0x73: {  	[tilespmem:s5+$0xC240] =	vst v5  }
0x74: {  	v5 =	vld [tilespmem:s4+$0xFFFFFFF0];
	_ =	sdelay $0x1  }
0x75: {  	[tilespmem:s31+$0xC250] =	vst v3  }
0x76: {  	v3 =	vld [tilespmem:s30+$0x0];
	[tilespmem:s1+$0xC250] =	vst v4  }
0x77: {  	v4 =	vld [tilespmem:s0+$0x0]  }
0x78: {  	[tilespmem:s5+$0xC250] =	vst v5  }
0x79: {  	v5 =	vld [tilespmem:s4+$0x0]  }
0x7a: {  	[tilespmem:s29+$0xC260] =	vst v2  }
0x7b: {  	v2 =	vld [tilespmem:s28+$0x10];
	[tilespmem:s31+$0xC260] =	vst v3  }
0x7c: {  	v3 =	vld [tilespmem:s30+$0x10];
	[tilespmem:s1+$0xC260] =	vst v4  }
0x7d: {  	v4 =	vld [tilespmem:s0+$0x10]  }
0x7e: {  	[tilespmem:s5+$0xC260] =	vst v5  }
0x7f: {  	v5 =	vld [tilespmem:s4+$0x10]  }
0x80: {  	[tilespmem:s29+$0xC270] =	vst v2  }
0x81: {  	v2 =	vld [tilespmem:s28+$0x60];
	[tilespmem:s31+$0xC270] =	vst v3  }
0x82: {  	v3 =	vld [tilespmem:s30+$0x60];
	[tilespmem:s1+$0xC270] =	vst v4  }
0x83: {  	v4 =	vld [tilespmem:s0+$0x60]  }
0x84: {  	[tilespmem:s5+$0xC270] =	vst v5  }
0x85: {  	[tilespmem:s25+$0xC600] =	vst v1;
	v5 =	vld [tilespmem:s4+$0x60]  }
0x86: {  	v1 =	vld [tilespmem:s26+$0x70];
	[tilespmem:s29+$0xC600] =	vst v2  }
0x87: {  	v2 =	vld [tilespmem:s28+$0x70];
	[tilespmem:s31+$0xC600] =	vst v3  }
0x88: {  	v3 =	vld [tilespmem:s30+$0x70];
	[tilespmem:s1+$0xC600] =	vst v4  }
0x89: {  	v4 =	vld [tilespmem:s0+$0x70]  }
0x8a: {  	[tilespmem:s5+$0xC600] =	vst v5  }
0x8b: {  	[tilespmem:s25+$0xC610] =	vst v1;
	v5 =	vld [tilespmem:s4+$0x70]  }
0x8c: {  	v1 =	vld [tilespmem:s26+$0x80];
	[tilespmem:s29+$0xC610] =	vst v2  }
0x8d: {  	v2 =	vld [tilespmem:s28+$0x80];
	[tilespmem:s31+$0xC610] =	vst v3  }
0x8e: {  	v3 =	vld [tilespmem:s30+$0x80];
	[tilespmem:s1+$0xC610] =	vst v4  }
0x8f: {  	[tilespmem:s23+$0xC620] =	vst v0;
	v4 =	vld [tilespmem:s0+$0x80]  }
0x90: {  	[tilespmem:s5+$0xC610] =	vst v5  }
0x91: {  	[tilespmem:s25+$0xC620] =	vst v1;
	v0 =	vld [tilespmem:s4+$0x80]  }
0x92: {  	v1 =	vld [tilespmem:s26+$0x90];
	[tilespmem:s29+$0xC620] =	vst v2  }
0x93: {  	v2 =	vld [tilespmem:s28+$0x90];
	[tilespmem:s31+$0xC620] =	vst v3  }
0x94: {  	v3 =	vld [tilespmem:s30+$0x90];
	[tilespmem:s1+$0xC620] =	vst v4  }
0x95: {  	v4 =	vld [tilespmem:s0+$0x90]  }
0x96: {  	v5 =	vld [tilespmem:s24+$0x90];
	[tilespmem:s5+$0xC620] =	vst v0  }
0x97: {  	[tilespmem:s25+$0xC630] =	vst v1;
	v0 =	vld [tilespmem:s4+$0x90]  }
0x98: {  	[tilespmem:s29+$0xC630] =	vst v2  }
0x99: {  	[tilespmem:s31+$0xC630] =	vst v3  }
0x9a: {  	[tilespmem:s1+$0xC630] =	vst v4  }
0x9b: {  	[tilespmem:s23+$0xC630] =	vst v5  }
0x9c: {  	[tilespmem:s5+$0xC630] =	vst v0  }
0x9d: {  	s7 =	simm.s32 $0x0;
	s1 =	rddreg [dreg:$0x4]  }
0x9e: {  	[hbm4b:s1+s7] =	stream.linear.scatter [tilespmem:s20], [sflag:$0x2], $0x8000, $0x38;
	[tilespmem:$0x14200] =	vst v63  }
0x9f: {  	s8 =	rddreg [dreg:$0x5]  }
0xa0: {  	[tilespmem:s7], [sflag:$0x3] =	stream.linear.gather [hbm4b:s8+s7], $0x180, $0x38;
	[tilespmem:$0x14200] =	vst v63  }
0xa1: {  	_ =	swait.ge [sflag:s13], $0x180  }
0xa2: {  	[sflag:s13] =	ssyncset.done $0x0  }
0xa3: {  	[sflag:s13] =	ssyncadd.s32 $0xFFFFFE80  }
0xa4: {  	[tilespmem:s15], [sflag:$0x1] =	stream.indirect.gather [hbm4b:s2+s14], $0x80, s7, s14, $0xb8;
	[tilespmem:$0x14200] =	vst v63  }
0xa5: {  	_ = 	snop  }
0xa6: {  	[tilespmem:s16], [sflag:$0x1] =	stream.indirect.gather [hbm4b:s2+s14], $0x80, s14, s14, $0xb8;
	[tilespmem:$0x14200] =	vst v63  }
0xa7: {  	_ = 	snop  }
0xa8: {  	[tilespmem:s18], [sflag:$0x1] =	stream.indirect.gather [hbm4b:s2+s14], $0x80, s17, s14, $0xb8;
	[tilespmem:$0x14200] =	vst v63  }
0xa9: {  	_ =	swait.ge [sflag:s19], $0x4000  }
0xaa: {  	[sflag:s19] =	ssyncset.done $0x0  }
0xab: {  	[sflag:s19] =	ssyncadd.s32 $0xFFFFC000  }
0xac: {  	_ =	swait.ge [sflag:s19], $0x4000  }
0xad: {  	[sflag:s19] =	ssyncset.done $0x0  }
0xae: {  	[sflag:s19] =	ssyncadd.s32 $0xFFFFC000  }
0xaf: {  	_ =	swait.ge [sflag:s19], $0x4000  }
0xb0: {  	[sflag:s19] =	ssyncset.done $0x0  }
0xb1: {  	[sflag:s19] =	ssyncadd.s32 $0xFFFFC000  }
0xb2: {  	_ =	swait.ge [sflag:s21], $0x8000  }
0xb3: {  	[sflag:s21] =	ssyncset.done $0x0  }
0xb4: {  	s24 =	simm.s32 $0x2A0;
	[sflag:s21] =	ssyncadd.s32 $0xFFFF8000  }
0xb5: {  	v0 =	vld [tilespmem:s24+$0xFFFFFF60];
	_ =	sdelay $0x2  }
0xb6: {  	s9 =	sand.u32 $0x7800, s7;
	s0 =	sand.u32 $0x380, s7  }
0xb7: {  	s23 =	sor.u32 s0, s9  }
0xb8: {  	[tilespmem:s23+$0xC200] =	vst v0  }
0xb9: {  	v0 =	vld [tilespmem:s24+$0xFFFFFF70];
	_ =	sdelay $0x3  }
0xba: {  	s26 =	simm.s32 $0x420  }
0xbb: {  	[tilespmem:s23+$0xC210] =	vst v0;
	v0 =	vld [tilespmem:s26+$0xFFFFFF60]  }
0xbc: {  	v1 =	vld [tilespmem:s24+$0xFFFFFF80]  }
0xbd: {  	s10 =	simm.s32 $0x100;
	s25 =	simm.s32 $0x80  }
0xbe: {  	s0 =	sand.u32 $0x7800, s10;
	s1 =	sand.u32 $0x380, s25  }
0xbf: {  	s25 =	sor.u32 s1, s0  }
0xc0: {  	[tilespmem:s25+$0xC200] =	vst v0  }
0xc1: {  	v0 =	vld [tilespmem:s26+$0xFFFFFF70];
	[tilespmem:s23+$0xC220] =	vst v1  }
0xc2: {  	v1 =	vld [tilespmem:s24+$0xFFFFFF90];
	_ =	sdelay $0x2  }
0xc3: {  	s28 =	simm.s32 $0x5A0  }
0xc4: {  	[tilespmem:s25+$0xC210] =	vst v0;
	v0 =	vld [tilespmem:s28+$0xFFFFFF60]  }
0xc5: {  	[tilespmem:s23+$0xC230] =	vst v1;
	v1 =	vld [tilespmem:s26+$0xFFFFFF80]  }
0xc6: {  	s4 =	simm.s32 $0x100;
	s1 =	simm.s32 $0x200;
	v2 =	vld [tilespmem:s24+$0xFFFFFFE0]  }
0xc7: {  	s0 =	sand.u32 $0x7800, s1;
	s1 =	sand.u32 $0x380, s4  }
0xc8: {  	s29 =	sor.u32 s1, s0  }
0xc9: {  	[tilespmem:s29+$0xC200] =	vst v0  }
0xca: {  	v0 =	vld [tilespmem:s28+$0xFFFFFF70];
	[tilespmem:s25+$0xC220] =	vst v1  }
0xcb: {  	v1 =	vld [tilespmem:s26+$0xFFFFFF90];
	[tilespmem:s23+$0xC240] =	vst v2  }
0xcc: {  	v2 =	vld [tilespmem:s24+$0xFFFFFFF0];
	_ =	sdelay $0x1  }
0xcd: {  	s30 =	simm.s32 $0x720  }
0xce: {  	[tilespmem:s29+$0xC210] =	vst v0;
	v0 =	vld [tilespmem:s30+$0xFFFFFF60]  }
0xcf: {  	[tilespmem:s25+$0xC230] =	vst v1;
	v1 =	vld [tilespmem:s28+$0xFFFFFF80]  }
0xd0: {  	s6 =	simm.s32 $0x180;
	s5 =	simm.s32 $0x300;
	[tilespmem:s23+$0xC250] =	vst v2;
	v2 =	vld [tilespmem:s26+$0xFFFFFFE0]  }
0xd1: {  	s0 =	sand.u32 $0x7800, s5;
	s1 =	sand.u32 $0x380, s6;
	v3 =	vld [tilespmem:s24+$0x0]  }
0xd2: {  	s31 =	sor.u32 s1, s0  }
0xd3: {  	[tilespmem:s31+$0xC200] =	vst v0  }
0xd4: {  	v0 =	vld [tilespmem:s30+$0xFFFFFF70];
	[tilespmem:s29+$0xC220] =	vst v1  }
0xd5: {  	v1 =	vld [tilespmem:s28+$0xFFFFFF90];
	[tilespmem:s25+$0xC240] =	vst v2  }
0xd6: {  	v2 =	vld [tilespmem:s26+$0xFFFFFFF0];
	[tilespmem:s23+$0xC260] =	vst v3  }
0xd7: {  	v3 =	vld [tilespmem:s24+$0x10]  }
0xd8: {  	s0 =	simm.s32 $0x8A0  }
0xd9: {  	[tilespmem:s31+$0xC210] =	vst v0;
	v0 =	vld [tilespmem:s0+$0xFFFFFF60]  }
0xda: {  	[tilespmem:s29+$0xC230] =	vst v1;
	v1 =	vld [tilespmem:s30+$0xFFFFFF80]  }
0xdb: {  	s8 =	simm.s32 $0x200;
	s7 =	simm.s32 $0x400;
	[tilespmem:s25+$0xC250] =	vst v2;
	v2 =	vld [tilespmem:s28+$0xFFFFFFE0]  }
0xdc: {  	s4 =	sand.u32 $0x380, s8;
	s1 =	sand.u32 $0x7800, s7;
	[tilespmem:s23+$0xC270] =	vst v3;
	v3 =	vld [tilespmem:s26+$0x0]  }
0xdd: {  	s1 =	sor.u32 s4, s1;
	v4 =	vld [tilespmem:s24+$0x60]  }
0xde: {  	[tilespmem:s1+$0xC200] =	vst v0  }
0xdf: {  	v0 =	vld [tilespmem:s0+$0xFFFFFF70];
	[tilespmem:s31+$0xC220] =	vst v1  }
0xe0: {  	v1 =	vld [tilespmem:s30+$0xFFFFFF90];
	[tilespmem:s29+$0xC240] =	vst v2  }
0xe1: {  	v2 =	vld [tilespmem:s28+$0xFFFFFFF0];
	[tilespmem:s25+$0xC260] =	vst v3  }
0xe2: {  	v5 =	vld [tilespmem:s26+$0x10];
	[tilespmem:s23+$0xC600] =	vst v4  }
0xe3: {  	s6 =	simm.s32 $0xA20;
	v6 =	vld [tilespmem:s24+$0x70]  }
0xe4: {  	[tilespmem:s1+$0xC210] =	vst v0;
	v0 =	vld [tilespmem:s6+$0xFFFFFF60]  }
0xe5: {  	[tilespmem:s31+$0xC230] =	vst v1;
	v4 =	vld [tilespmem:s0+$0xFFFFFF80]  }
0xe6: {  	s9 =	simm.s32 $0x500;
	s7 =	simm.s32 $0x280;
	[tilespmem:s29+$0xC250] =	vst v2;
	v3 =	vld [tilespmem:s30+$0xFFFFFFE0]  }
0xe7: {  	s4 =	sand.u32 $0x7800, s9;
	s10 =	sand.u32 $0x380, s7;
	[tilespmem:s25+$0xC270] =	vst v5;
	v2 =	vld [tilespmem:s28+$0x0]  }
0xe8: {  	s5 =	sor.u32 s10, s4;
	[tilespmem:s23+$0xC610] =	vst v6;
	v1 =	vld [tilespmem:s26+$0x60]  }
0xe9: {  	s8 =	simm.s32 $0x600;
	s4 =	simm.s32 $0xA20;
	[tilespmem:s5+$0xC200] =	vst v0;
	v0 =	vld [tilespmem:s24+$0x80]  }
.LBB2_4:
0xea: {  	p0 =	sne.s32 s8, $0x7F00;
	v5 =	vld [tilespmem:s6+$0xFFFFFF70];
	[tilespmem:s1+$0xC220] =	vst v4;
	s9 =	smov.u32 s1;
	s1 =	smov.u32 s5  }
0xeb: {  	v4 =	vld [tilespmem:s0+$0xFFFFFF90];
	[tilespmem:s31+$0xC240] =	vst v3  }
0xec: {  	v3 =	vld [tilespmem:s30+$0xFFFFFFF0];
	[tilespmem:s29+$0xC260] =	vst v2  }
0xed: {  	v2 =	vld [tilespmem:s28+$0x10];
	[tilespmem:s25+$0xC600] =	vst v1  }
0xee: {  	v1 =	vld [tilespmem:s26+$0x70];
	[tilespmem:s23+$0xC620] =	vst v0  }
0xef: {  	s6 =	sadd.s32 $0x180, s6;
	[tilespmem:s1+$0xC210] =	vst v5;
	v0 =	vld [tilespmem:s24+$0x90];
	s24 =	smov.u32 s26;
	s26 =	smov.u32 s28  }
0xf0: {  	s28 =	smov.u32 s30;
	s30 =	smov.u32 s0;
	s0 =	smov.u32 s4;
	v5 =	vld [tilespmem:s6+$0xFFFFFF60];
	[tilespmem:s9+$0xC230] =	vst v4  }
.Ltmp1:
0xf1: {  	s4 =	smov.u32 s6;
	v4 =	vld [tilespmem:s0+$0xFFFFFF80];
	[tilespmem:s31+$0xC250] =	vst v3;
	(pc) =	sbr.rel @p0 .LBB2_4-.Ltmp1, $4  }
0xf2: {  	s7 =	sadd.s32 $0x80, s7;
	v3 =	vld [tilespmem:s30+$0xFFFFFFE0];
	[tilespmem:s29+$0xC270] =	vst v2  }
0xf3: {  	s5 =	sand.u32 $0x7800, s8;
	s10 =	sand.u32 $0x380, s7;
	v2 =	vld [tilespmem:s28+$0x0];
	[tilespmem:s25+$0xC610] =	vst v1  }
0xf4: {  	s5 =	sor.u32 s10, s5;
	v1 =	vld [tilespmem:s26+$0x60];
	[tilespmem:s23+$0xC630] =	vst v0;
	s23 =	smov.u32 s25;
	s25 =	smov.u32 s29  }
0xf5: {  	s8 =	sadd.s32 $0x100, s8;
	s29 =	smov.u32 s31;
	s31 =	smov.u32 s9;
	[tilespmem:s5+$0xC200] =	vst v5;
	v0 =	vld [tilespmem:s24+$0x80]  }
0xf6: {  	v5 =	vld [tilespmem:s6+$0xFFFFFF70];
	_ =	sdelay $0x4  }
0xf7: {  	[tilespmem:s5+$0xC210] =	vst v5  }
0xf8: {  	v5 =	vld [tilespmem:s4+$0xFFFFFF80];
	_ =	sdelay $0x2  }
0xf9: {  	[tilespmem:s1+$0xC220] =	vst v4  }
0xfa: {  	v4 =	vld [tilespmem:s0+$0xFFFFFF90]  }
0xfb: {  	[tilespmem:s5+$0xC220] =	vst v5  }
0xfc: {  	v5 =	vld [tilespmem:s4+$0xFFFFFF90];
	_ =	sdelay $0x2  }
0xfd: {  	[tilespmem:s1+$0xC230] =	vst v4  }
0xfe: {  	v4 =	vld [tilespmem:s0+$0xFFFFFFE0]  }
0xff: {  	[tilespmem:s5+$0xC230] =	vst v5  }
0x100: {  	v5 =	vld [tilespmem:s4+$0xFFFFFFE0];
	_ =	sdelay $0x1  }
0x101: {  	[tilespmem:s31+$0xC240] =	vst v3  }
0x102: {  	v3 =	vld [tilespmem:s30+$0xFFFFFFF0];
	[tilespmem:s1+$0xC240] =	vst v4  }
0x103: {  	v4 =	vld [tilespmem:s0+$0xFFFFFFF0]  }
0x104: {  	[tilespmem:s5+$0xC240] =	vst v5  }
0x105: {  	v5 =	vld [tilespmem:s4+$0xFFFFFFF0];
	_ =	sdelay $0x1  }
0x106: {  	[tilespmem:s31+$0xC250] =	vst v3  }
0x107: {  	v3 =	vld [tilespmem:s30+$0x0];
	[tilespmem:s1+$0xC250] =	vst v4  }
0x108: {  	v4 =	vld [tilespmem:s0+$0x0]  }
0x109: {  	[tilespmem:s5+$0xC250] =	vst v5  }
0x10a: {  	v5 =	vld [tilespmem:s4+$0x0]  }
0x10b: {  	[tilespmem:s29+$0xC260] =	vst v2  }
0x10c: {  	v2 =	vld [tilespmem:s28+$0x10];
	[tilespmem:s31+$0xC260] =	vst v3  }
0x10d: {  	v3 =	vld [tilespmem:s30+$0x10];
	[tilespmem:s1+$0xC260] =	vst v4  }
0x10e: {  	v4 =	vld [tilespmem:s0+$0x10]  }
0x10f: {  	[tilespmem:s5+$0xC260] =	vst v5  }
0x110: {  	v5 =	vld [tilespmem:s4+$0x10]  }
0x111: {  	[tilespmem:s29+$0xC270] =	vst v2  }
0x112: {  	v2 =	vld [tilespmem:s28+$0x60];
	[tilespmem:s31+$0xC270] =	vst v3  }
0x113: {  	v3 =	vld [tilespmem:s30+$0x60];
	[tilespmem:s1+$0xC270] =	vst v4  }
0x114: {  	v4 =	vld [tilespmem:s0+$0x60]  }
0x115: {  	[tilespmem:s5+$0xC270] =	vst v5  }
0x116: {  	[tilespmem:s25+$0xC600] =	vst v1;
	v5 =	vld [tilespmem:s4+$0x60]  }
0x117: {  	v1 =	vld [tilespmem:s26+$0x70];
	[tilespmem:s29+$0xC600] =	vst v2  }
0x118: {  	v2 =	vld [tilespmem:s28+$0x70];
	[tilespmem:s31+$0xC600] =	vst v3  }
0x119: {  	v3 =	vld [tilespmem:s30+$0x70];
	[tilespmem:s1+$0xC600] =	vst v4  }
0x11a: {  	v4 =	vld [tilespmem:s0+$0x70]  }
0x11b: {  	[tilespmem:s5+$0xC600] =	vst v5  }
0x11c: {  	[tilespmem:s25+$0xC610] =	vst v1;
	v5 =	vld [tilespmem:s4+$0x70]  }
0x11d: {  	v1 =	vld [tilespmem:s26+$0x80];
	[tilespmem:s29+$0xC610] =	vst v2  }
0x11e: {  	v2 =	vld [tilespmem:s28+$0x80];
	[tilespmem:s31+$0xC610] =	vst v3  }
0x11f: {  	v3 =	vld [tilespmem:s30+$0x80];
	[tilespmem:s1+$0xC610] =	vst v4  }
0x120: {  	[tilespmem:s23+$0xC620] =	vst v0;
	v4 =	vld [tilespmem:s0+$0x80]  }
0x121: {  	[tilespmem:s5+$0xC610] =	vst v5  }
0x122: {  	[tilespmem:s25+$0xC620] =	vst v1;
	v0 =	vld [tilespmem:s4+$0x80]  }
0x123: {  	v1 =	vld [tilespmem:s26+$0x90];
	[tilespmem:s29+$0xC620] =	vst v2  }
0x124: {  	v2 =	vld [tilespmem:s28+$0x90];
	[tilespmem:s31+$0xC620] =	vst v3  }
0x125: {  	v3 =	vld [tilespmem:s30+$0x90];
	[tilespmem:s1+$0xC620] =	vst v4  }
0x126: {  	v4 =	vld [tilespmem:s0+$0x90]  }
0x127: {  	v5 =	vld [tilespmem:s24+$0x90];
	[tilespmem:s5+$0xC620] =	vst v0  }
0x128: {  	[tilespmem:s25+$0xC630] =	vst v1;
	v0 =	vld [tilespmem:s4+$0x90]  }
0x129: {  	[tilespmem:s29+$0xC630] =	vst v2  }
0x12a: {  	[tilespmem:s31+$0xC630] =	vst v3  }
0x12b: {  	[tilespmem:s1+$0xC630] =	vst v4  }
0x12c: {  	[tilespmem:s23+$0xC630] =	vst v5  }
0x12d: {  	[tilespmem:s5+$0xC630] =	vst v0  }
0x12e: {  	s7 =	simm.s32 $0x0;
	s1 =	rddreg [dreg:$0x6]  }
0x12f: {  	[hbm4b:s1+s7] =	stream.linear.scatter [tilespmem:s20], [sflag:$0x2], $0x8000, $0x38;
	[tilespmem:$0x14200] =	vst v63  }
0x130: {  	s8 =	rddreg [dreg:$0x7]  }
0x131: {  	[tilespmem:s7], [sflag:$0x3] =	stream.linear.gather [hbm4b:s8+s7], $0x180, $0x38;
	[tilespmem:$0x14200] =	vst v63  }
0x132: {  	_ =	swait.ge [sflag:s13], $0x180  }
0x133: {  	[sflag:s13] =	ssyncset.done $0x0  }
0x134: {  	[sflag:s13] =	ssyncadd.s32 $0xFFFFFE80  }
0x135: {  	[tilespmem:s15], [sflag:$0x1] =	stream.indirect.gather [hbm4b:s2+s14], $0x80, s7, s14, $0xb8;
	[tilespmem:$0x14200] =	vst v63  }
0x136: {  	_ = 	snop  }
0x137: {  	[tilespmem:s16], [sflag:$0x1] =	stream.indirect.gather [hbm4b:s2+s14], $0x80, s14, s14, $0xb8;
	[tilespmem:$0x14200] =	vst v63  }
0x138: {  	_ = 	snop  }
0x139: {  	[tilespmem:s18], [sflag:$0x1] =	stream.indirect.gather [hbm4b:s2+s14], $0x80, s17, s14, $0xb8;
	[tilespmem:$0x14200] =	vst v63  }
0x13a: {  	_ =	swait.ge [sflag:s19], $0x4000  }
0x13b: {  	[sflag:s19] =	ssyncset.done $0x0  }
0x13c: {  	[sflag:s19] =	ssyncadd.s32 $0xFFFFC000  }
0x13d: {  	_ =	swait.ge [sflag:s19], $0x4000  }
0x13e: {  	[sflag:s19] =	ssyncset.done $0x0  }
0x13f: {  	[sflag:s19] =	ssyncadd.s32 $0xFFFFC000  }
0x140: {  	_ =	swait.ge [sflag:s19], $0x4000  }
0x141: {  	[sflag:s19] =	ssyncset.done $0x0  }
0x142: {  	[sflag:s19] =	ssyncadd.s32 $0xFFFFC000  }
0x143: {  	_ =	swait.ge [sflag:s21], $0x8000  }
0x144: {  	[sflag:s21] =	ssyncset.done $0x0  }
0x145: {  	s24 =	simm.s32 $0x2A0;
	[sflag:s21] =	ssyncadd.s32 $0xFFFF8000  }
0x146: {  	v0 =	vld [tilespmem:s24+$0xFFFFFF60];
	_ =	sdelay $0x2  }
0x147: {  	s9 =	sand.u32 $0x7800, s7;
	s0 =	sand.u32 $0x380, s7  }
0x148: {  	s23 =	sor.u32 s0, s9  }
0x149: {  	[tilespmem:s23+$0xC200] =	vst v0  }
0x14a: {  	v0 =	vld [tilespmem:s24+$0xFFFFFF70];
	_ =	sdelay $0x3  }
0x14b: {  	s26 =	simm.s32 $0x420  }
0x14c: {  	[tilespmem:s23+$0xC210] =	vst v0;
	v0 =	vld [tilespmem:s26+$0xFFFFFF60]  }
0x14d: {  	v1 =	vld [tilespmem:s24+$0xFFFFFF80]  }
0x14e: {  	s10 =	simm.s32 $0x100;
	s25 =	simm.s32 $0x80  }
0x14f: {  	s0 =	sand.u32 $0x7800, s10;
	s1 =	sand.u32 $0x380, s25  }
0x150: {  	s25 =	sor.u32 s1, s0  }
0x151: {  	[tilespmem:s25+$0xC200] =	vst v0  }
0x152: {  	v0 =	vld [tilespmem:s26+$0xFFFFFF70];
	[tilespmem:s23+$0xC220] =	vst v1  }
0x153: {  	v1 =	vld [tilespmem:s24+$0xFFFFFF90];
	_ =	sdelay $0x2  }
0x154: {  	s28 =	simm.s32 $0x5A0  }
0x155: {  	[tilespmem:s25+$0xC210] =	vst v0;
	v0 =	vld [tilespmem:s28+$0xFFFFFF60]  }
0x156: {  	[tilespmem:s23+$0xC230] =	vst v1;
	v1 =	vld [tilespmem:s26+$0xFFFFFF80]  }
0x157: {  	s4 =	simm.s32 $0x100;
	s1 =	simm.s32 $0x200;
	v2 =	vld [tilespmem:s24+$0xFFFFFFE0]  }
0x158: {  	s0 =	sand.u32 $0x7800, s1;
	s1 =	sand.u32 $0x380, s4  }
0x159: {  	s29 =	sor.u32 s1, s0  }
0x15a: {  	[tilespmem:s29+$0xC200] =	vst v0  }
0x15b: {  	v0 =	vld [tilespmem:s28+$0xFFFFFF70];
	[tilespmem:s25+$0xC220] =	vst v1  }
0x15c: {  	v1 =	vld [tilespmem:s26+$0xFFFFFF90];
	[tilespmem:s23+$0xC240] =	vst v2  }
0x15d: {  	v2 =	vld [tilespmem:s24+$0xFFFFFFF0];
	_ =	sdelay $0x1  }
0x15e: {  	s30 =	simm.s32 $0x720  }
0x15f: {  	[tilespmem:s29+$0xC210] =	vst v0;
	v0 =	vld [tilespmem:s30+$0xFFFFFF60]  }
0x160: {  	[tilespmem:s25+$0xC230] =	vst v1;
	v1 =	vld [tilespmem:s28+$0xFFFFFF80]  }
0x161: {  	s6 =	simm.s32 $0x180;
	s5 =	simm.s32 $0x300;
	[tilespmem:s23+$0xC250] =	vst v2;
	v2 =	vld [tilespmem:s26+$0xFFFFFFE0]  }
0x162: {  	s0 =	sand.u32 $0x7800, s5;
	s1 =	sand.u32 $0x380, s6;
	v3 =	vld [tilespmem:s24+$0x0]  }
0x163: {  	s31 =	sor.u32 s1, s0  }
0x164: {  	[tilespmem:s31+$0xC200] =	vst v0  }
0x165: {  	v0 =	vld [tilespmem:s30+$0xFFFFFF70];
	[tilespmem:s29+$0xC220] =	vst v1  }
0x166: {  	v1 =	vld [tilespmem:s28+$0xFFFFFF90];
	[tilespmem:s25+$0xC240] =	vst v2  }
0x167: {  	v2 =	vld [tilespmem:s26+$0xFFFFFFF0];
	[tilespmem:s23+$0xC260] =	vst v3  }
0x168: {  	v3 =	vld [tilespmem:s24+$0x10]  }
0x169: {  	s0 =	simm.s32 $0x8A0  }
0x16a: {  	[tilespmem:s31+$0xC210] =	vst v0;
	v0 =	vld [tilespmem:s0+$0xFFFFFF60]  }
0x16b: {  	[tilespmem:s29+$0xC230] =	vst v1;
	v1 =	vld [tilespmem:s30+$0xFFFFFF80]  }
0x16c: {  	s8 =	simm.s32 $0x200;
	s7 =	simm.s32 $0x400;
	[tilespmem:s25+$0xC250] =	vst v2;
	v2 =	vld [tilespmem:s28+$0xFFFFFFE0]  }
0x16d: {  	s4 =	sand.u32 $0x380, s8;
	s1 =	sand.u32 $0x7800, s7;
	[tilespmem:s23+$0xC270] =	vst v3;
	v3 =	vld [tilespmem:s26+$0x0]  }
0x16e: {  	s1 =	sor.u32 s4, s1;
	v4 =	vld [tilespmem:s24+$0x60]  }
0x16f: {  	[tilespmem:s1+$0xC200] =	vst v0  }
0x170: {  	v0 =	vld [tilespmem:s0+$0xFFFFFF70];
	[tilespmem:s31+$0xC220] =	vst v1  }
0x171: {  	v1 =	vld [tilespmem:s30+$0xFFFFFF90];
	[tilespmem:s29+$0xC240] =	vst v2  }
0x172: {  	v2 =	vld [tilespmem:s28+$0xFFFFFFF0];
	[tilespmem:s25+$0xC260] =	vst v3  }
0x173: {  	v5 =	vld [tilespmem:s26+$0x10];
	[tilespmem:s23+$0xC600] =	vst v4  }
0x174: {  	s6 =	simm.s32 $0xA20;
	v6 =	vld [tilespmem:s24+$0x70]  }
0x175: {  	[tilespmem:s1+$0xC210] =	vst v0;
	v0 =	vld [tilespmem:s6+$0xFFFFFF60]  }
0x176: {  	[tilespmem:s31+$0xC230] =	vst v1;
	v4 =	vld [tilespmem:s0+$0xFFFFFF80]  }
0x177: {  	s9 =	simm.s32 $0x500;
	s7 =	simm.s32 $0x280;
	[tilespmem:s29+$0xC250] =	vst v2;
	v3 =	vld [tilespmem:s30+$0xFFFFFFE0]  }
0x178: {  	s4 =	sand.u32 $0x7800, s9;
	s10 =	sand.u32 $0x380, s7;
	[tilespmem:s25+$0xC270] =	vst v5;
	v2 =	vld [tilespmem:s28+$0x0]  }
0x179: {  	s5 =	sor.u32 s10, s4;
	[tilespmem:s23+$0xC610] =	vst v6;
	v1 =	vld [tilespmem:s26+$0x60]  }
0x17a: {  	s8 =	simm.s32 $0x600;
	s4 =	simm.s32 $0xA20;
	[tilespmem:s5+$0xC200] =	vst v0;
	v0 =	vld [tilespmem:s24+$0x80]  }
.LBB2_6:
0x17b: {  	p0 =	sne.s32 s8, $0x7F00;
	v5 =	vld [tilespmem:s6+$0xFFFFFF70];
	[tilespmem:s1+$0xC220] =	vst v4;
	s9 =	smov.u32 s1;
	s1 =	smov.u32 s5  }
0x17c: {  	v4 =	vld [tilespmem:s0+$0xFFFFFF90];
	[tilespmem:s31+$0xC240] =	vst v3  }
0x17d: {  	v3 =	vld [tilespmem:s30+$0xFFFFFFF0];
	[tilespmem:s29+$0xC260] =	vst v2  }
0x17e: {  	v2 =	vld [tilespmem:s28+$0x10];
	[tilespmem:s25+$0xC600] =	vst v1  }
0x17f: {  	v1 =	vld [tilespmem:s26+$0x70];
	[tilespmem:s23+$0xC620] =	vst v0  }
0x180: {  	s6 =	sadd.s32 $0x180, s6;
	[tilespmem:s1+$0xC210] =	vst v5;
	v0 =	vld [tilespmem:s24+$0x90];
	s24 =	smov.u32 s26;
	s26 =	smov.u32 s28  }
0x181: {  	s28 =	smov.u32 s30;
	s30 =	smov.u32 s0;
	s0 =	smov.u32 s4;
	v5 =	vld [tilespmem:s6+$0xFFFFFF60];
	[tilespmem:s9+$0xC230] =	vst v4  }
.Ltmp2:
0x182: {  	s4 =	smov.u32 s6;
	v4 =	vld [tilespmem:s0+$0xFFFFFF80];
	[tilespmem:s31+$0xC250] =	vst v3;
	(pc) =	sbr.rel @p0 .LBB2_6-.Ltmp2, $4  }
0x183: {  	s7 =	sadd.s32 $0x80, s7;
	v3 =	vld [tilespmem:s30+$0xFFFFFFE0];
	[tilespmem:s29+$0xC270] =	vst v2  }
0x184: {  	s5 =	sand.u32 $0x7800, s8;
	s10 =	sand.u32 $0x380, s7;
	v2 =	vld [tilespmem:s28+$0x0];
	[tilespmem:s25+$0xC610] =	vst v1  }
0x185: {  	s5 =	sor.u32 s10, s5;
	v1 =	vld [tilespmem:s26+$0x60];
	[tilespmem:s23+$0xC630] =	vst v0;
	s23 =	smov.u32 s25;
	s25 =	smov.u32 s29  }
0x186: {  	s8 =	sadd.s32 $0x100, s8;
	s29 =	smov.u32 s31;
	s31 =	smov.u32 s9;
	[tilespmem:s5+$0xC200] =	vst v5;
	v0 =	vld [tilespmem:s24+$0x80]  }
0x187: {  	v5 =	vld [tilespmem:s6+$0xFFFFFF70];
	_ =	sdelay $0x4  }
0x188: {  	[tilespmem:s5+$0xC210] =	vst v5  }
0x189: {  	v5 =	vld [tilespmem:s4+$0xFFFFFF80];
	_ =	sdelay $0x2  }
0x18a: {  	[tilespmem:s1+$0xC220] =	vst v4  }
0x18b: {  	v4 =	vld [tilespmem:s0+$0xFFFFFF90]  }
0x18c: {  	[tilespmem:s5+$0xC220] =	vst v5  }
0x18d: {  	v5 =	vld [tilespmem:s4+$0xFFFFFF90];
	_ =	sdelay $0x2  }
0x18e: {  	[tilespmem:s1+$0xC230] =	vst v4  }
0x18f: {  	v4 =	vld [tilespmem:s0+$0xFFFFFFE0]  }
0x190: {  	[tilespmem:s5+$0xC230] =	vst v5  }
0x191: {  	v5 =	vld [tilespmem:s4+$0xFFFFFFE0];
	_ =	sdelay $0x1  }
0x192: {  	[tilespmem:s31+$0xC240] =	vst v3  }
0x193: {  	v3 =	vld [tilespmem:s30+$0xFFFFFFF0];
	[tilespmem:s1+$0xC240] =	vst v4  }
0x194: {  	v4 =	vld [tilespmem:s0+$0xFFFFFFF0]  }
0x195: {  	[tilespmem:s5+$0xC240] =	vst v5  }
0x196: {  	v5 =	vld [tilespmem:s4+$0xFFFFFFF0];
	_ =	sdelay $0x1  }
0x197: {  	[tilespmem:s31+$0xC250] =	vst v3  }
0x198: {  	v3 =	vld [tilespmem:s30+$0x0];
	[tilespmem:s1+$0xC250] =	vst v4  }
0x199: {  	v4 =	vld [tilespmem:s0+$0x0]  }
0x19a: {  	[tilespmem:s5+$0xC250] =	vst v5  }
0x19b: {  	v5 =	vld [tilespmem:s4+$0x0]  }
0x19c: {  	[tilespmem:s29+$0xC260] =	vst v2  }
0x19d: {  	v2 =	vld [tilespmem:s28+$0x10];
	[tilespmem:s31+$0xC260] =	vst v3  }
0x19e: {  	v3 =	vld [tilespmem:s30+$0x10];
	[tilespmem:s1+$0xC260] =	vst v4  }
0x19f: {  	v4 =	vld [tilespmem:s0+$0x10]  }
0x1a0: {  	[tilespmem:s5+$0xC260] =	vst v5  }
0x1a1: {  	v5 =	vld [tilespmem:s4+$0x10]  }
0x1a2: {  	[tilespmem:s29+$0xC270] =	vst v2  }
0x1a3: {  	v2 =	vld [tilespmem:s28+$0x60];
	[tilespmem:s31+$0xC270] =	vst v3  }
0x1a4: {  	v3 =	vld [tilespmem:s30+$0x60];
	[tilespmem:s1+$0xC270] =	vst v4  }
0x1a5: {  	v4 =	vld [tilespmem:s0+$0x60]  }
0x1a6: {  	[tilespmem:s5+$0xC270] =	vst v5  }
0x1a7: {  	[tilespmem:s25+$0xC600] =	vst v1;
	v5 =	vld [tilespmem:s4+$0x60]  }
0x1a8: {  	v1 =	vld [tilespmem:s26+$0x70];
	[tilespmem:s29+$0xC600] =	vst v2  }
0x1a9: {  	v2 =	vld [tilespmem:s28+$0x70];
	[tilespmem:s31+$0xC600] =	vst v3  }
0x1aa: {  	v3 =	vld [tilespmem:s30+$0x70];
	[tilespmem:s1+$0xC600] =	vst v4  }
0x1ab: {  	v4 =	vld [tilespmem:s0+$0x70]  }
0x1ac: {  	[tilespmem:s5+$0xC600] =	vst v5  }
0x1ad: {  	[tilespmem:s25+$0xC610] =	vst v1;
	v5 =	vld [tilespmem:s4+$0x70]  }
0x1ae: {  	v1 =	vld [tilespmem:s26+$0x80];
	[tilespmem:s29+$0xC610] =	vst v2  }
0x1af: {  	v2 =	vld [tilespmem:s28+$0x80];
	[tilespmem:s31+$0xC610] =	vst v3  }
0x1b0: {  	v3 =	vld [tilespmem:s30+$0x80];
	[tilespmem:s1+$0xC610] =	vst v4  }
0x1b1: {  	[tilespmem:s23+$0xC620] =	vst v0;
	v4 =	vld [tilespmem:s0+$0x80]  }
0x1b2: {  	[tilespmem:s5+$0xC610] =	vst v5  }
0x1b3: {  	[tilespmem:s25+$0xC620] =	vst v1;
	v0 =	vld [tilespmem:s4+$0x80]  }
0x1b4: {  	v1 =	vld [tilespmem:s26+$0x90];
	[tilespmem:s29+$0xC620] =	vst v2  }
0x1b5: {  	v2 =	vld [tilespmem:s28+$0x90];
	[tilespmem:s31+$0xC620] =	vst v3  }
0x1b6: {  	v3 =	vld [tilespmem:s30+$0x90];
	[tilespmem:s1+$0xC620] =	vst v4  }
0x1b7: {  	v4 =	vld [tilespmem:s0+$0x90]  }
0x1b8: {  	v5 =	vld [tilespmem:s24+$0x90];
	[tilespmem:s5+$0xC620] =	vst v0  }
0x1b9: {  	[tilespmem:s25+$0xC630] =	vst v1;
	v0 =	vld [tilespmem:s4+$0x90]  }
0x1ba: {  	[tilespmem:s29+$0xC630] =	vst v2  }
0x1bb: {  	[tilespmem:s31+$0xC630] =	vst v3  }
0x1bc: {  	[tilespmem:s1+$0xC630] =	vst v4  }
0x1bd: {  	[tilespmem:s23+$0xC630] =	vst v5  }
0x1be: {  	[tilespmem:s5+$0xC630] =	vst v0  }
0x1bf: {  	s7 =	simm.s32 $0x0;
	s1 =	rddreg [dreg:$0x8]  }
0x1c0: {  	[hbm4b:s1+s7] =	stream.linear.scatter [tilespmem:s20], [sflag:$0x2], $0x8000, $0x38;
	[tilespmem:$0x14200] =	vst v63  }
0x1c1: {  	s8 =	rddreg [dreg:$0x9]  }
0x1c2: {  	[tilespmem:s7], [sflag:$0x3] =	stream.linear.gather [hbm4b:s8+s7], $0x180, $0x38;
	[tilespmem:$0x14200] =	vst v63  }
0x1c3: {  	_ =	swait.ge [sflag:s13], $0x180  }
0x1c4: {  	[sflag:s13] =	ssyncset.done $0x0  }
0x1c5: {  	[sflag:s13] =	ssyncadd.s32 $0xFFFFFE80  }
0x1c6: {  	[tilespmem:s15], [sflag:$0x1] =	stream.indirect.gather [hbm4b:s2+s14], $0x80, s7, s14, $0xb8;
	[tilespmem:$0x14200] =	vst v63  }
0x1c7: {  	_ = 	snop  }
0x1c8: {  	[tilespmem:s16], [sflag:$0x1] =	stream.indirect.gather [hbm4b:s2+s14], $0x80, s14, s14, $0xb8;
	[tilespmem:$0x14200] =	vst v63  }
0x1c9: {  	_ = 	snop  }
0x1ca: {  	[tilespmem:s18], [sflag:$0x1] =	stream.indirect.gather [hbm4b:s2+s14], $0x80, s17, s14, $0xb8;
	[tilespmem:$0x14200] =	vst v63  }
0x1cb: {  	_ =	swait.ge [sflag:s19], $0x4000  }
0x1cc: {  	[sflag:s19] =	ssyncset.done $0x0  }
0x1cd: {  	[sflag:s19] =	ssyncadd.s32 $0xFFFFC000  }
0x1ce: {  	_ =	swait.ge [sflag:s19], $0x4000  }
0x1cf: {  	[sflag:s19] =	ssyncset.done $0x0  }
0x1d0: {  	[sflag:s19] =	ssyncadd.s32 $0xFFFFC000  }
0x1d1: {  	_ =	swait.ge [sflag:s19], $0x4000  }
0x1d2: {  	[sflag:s19] =	ssyncset.done $0x0  }
0x1d3: {  	[sflag:s19] =	ssyncadd.s32 $0xFFFFC000  }
0x1d4: {  	_ =	swait.ge [sflag:s21], $0x8000  }
0x1d5: {  	[sflag:s21] =	ssyncset.done $0x0  }
0x1d6: {  	s24 =	simm.s32 $0x2A0;
	[sflag:s21] =	ssyncadd.s32 $0xFFFF8000  }
0x1d7: {  	v0 =	vld [tilespmem:s24+$0xFFFFFF60];
	_ =	sdelay $0x2  }
0x1d8: {  	s9 =	sand.u32 $0x7800, s7;
	s0 =	sand.u32 $0x380, s7  }
0x1d9: {  	s23 =	sor.u32 s0, s9  }
0x1da: {  	[tilespmem:s23+$0xC200] =	vst v0  }
0x1db: {  	v0 =	vld [tilespmem:s24+$0xFFFFFF70];
	_ =	sdelay $0x3  }
0x1dc: {  	s26 =	simm.s32 $0x420  }
0x1dd: {  	[tilespmem:s23+$0xC210] =	vst v0;
	v0 =	vld [tilespmem:s26+$0xFFFFFF60]  }
0x1de: {  	v1 =	vld [tilespmem:s24+$0xFFFFFF80]  }
0x1df: {  	s10 =	simm.s32 $0x100;
	s25 =	simm.s32 $0x80  }
0x1e0: {  	s0 =	sand.u32 $0x7800, s10;
	s1 =	sand.u32 $0x380, s25  }
0x1e1: {  	s25 =	sor.u32 s1, s0  }
0x1e2: {  	[tilespmem:s25+$0xC200] =	vst v0  }
0x1e3: {  	v0 =	vld [tilespmem:s26+$0xFFFFFF70];
	[tilespmem:s23+$0xC220] =	vst v1  }
0x1e4: {  	v1 =	vld [tilespmem:s24+$0xFFFFFF90];
	_ =	sdelay $0x2  }
0x1e5: {  	s28 =	simm.s32 $0x5A0  }
0x1e6: {  	[tilespmem:s25+$0xC210] =	vst v0;
	v0 =	vld [tilespmem:s28+$0xFFFFFF60]  }
0x1e7: {  	[tilespmem:s23+$0xC230] =	vst v1;
	v1 =	vld [tilespmem:s26+$0xFFFFFF80]  }
0x1e8: {  	s4 =	simm.s32 $0x100;
	s1 =	simm.s32 $0x200;
	v2 =	vld [tilespmem:s24+$0xFFFFFFE0]  }
0x1e9: {  	s0 =	sand.u32 $0x7800, s1;
	s1 =	sand.u32 $0x380, s4  }
0x1ea: {  	s29 =	sor.u32 s1, s0  }
0x1eb: {  	[tilespmem:s29+$0xC200] =	vst v0  }
0x1ec: {  	v0 =	vld [tilespmem:s28+$0xFFFFFF70];
	[tilespmem:s25+$0xC220] =	vst v1  }
0x1ed: {  	v1 =	vld [tilespmem:s26+$0xFFFFFF90];
	[tilespmem:s23+$0xC240] =	vst v2  }
0x1ee: {  	v2 =	vld [tilespmem:s24+$0xFFFFFFF0];
	_ =	sdelay $0x1  }
0x1ef: {  	s30 =	simm.s32 $0x720  }
0x1f0: {  	[tilespmem:s29+$0xC210] =	vst v0;
	v0 =	vld [tilespmem:s30+$0xFFFFFF60]  }
0x1f1: {  	[tilespmem:s25+$0xC230] =	vst v1;
	v1 =	vld [tilespmem:s28+$0xFFFFFF80]  }
0x1f2: {  	s6 =	simm.s32 $0x180;
	s5 =	simm.s32 $0x300;
	[tilespmem:s23+$0xC250] =	vst v2;
	v2 =	vld [tilespmem:s26+$0xFFFFFFE0]  }
0x1f3: {  	s0 =	sand.u32 $0x7800, s5;
	s1 =	sand.u32 $0x380, s6;
	v3 =	vld [tilespmem:s24+$0x0]  }
0x1f4: {  	s31 =	sor.u32 s1, s0  }
0x1f5: {  	[tilespmem:s31+$0xC200] =	vst v0  }
0x1f6: {  	v0 =	vld [tilespmem:s30+$0xFFFFFF70];
	[tilespmem:s29+$0xC220] =	vst v1  }
0x1f7: {  	v1 =	vld [tilespmem:s28+$0xFFFFFF90];
	[tilespmem:s25+$0xC240] =	vst v2  }
0x1f8: {  	v2 =	vld [tilespmem:s26+$0xFFFFFFF0];
	[tilespmem:s23+$0xC260] =	vst v3  }
0x1f9: {  	v3 =	vld [tilespmem:s24+$0x10]  }
0x1fa: {  	s0 =	simm.s32 $0x8A0  }
0x1fb: {  	[tilespmem:s31+$0xC210] =	vst v0;
	v0 =	vld [tilespmem:s0+$0xFFFFFF60]  }
0x1fc: {  	[tilespmem:s29+$0xC230] =	vst v1;
	v1 =	vld [tilespmem:s30+$0xFFFFFF80]  }
0x1fd: {  	s8 =	simm.s32 $0x200;
	s7 =	simm.s32 $0x400;
	[tilespmem:s25+$0xC250] =	vst v2;
	v2 =	vld [tilespmem:s28+$0xFFFFFFE0]  }
0x1fe: {  	s4 =	sand.u32 $0x380, s8;
	s1 =	sand.u32 $0x7800, s7;
	[tilespmem:s23+$0xC270] =	vst v3;
	v3 =	vld [tilespmem:s26+$0x0]  }
0x1ff: {  	s1 =	sor.u32 s4, s1;
	v4 =	vld [tilespmem:s24+$0x60]  }
0x200: {  	[tilespmem:s1+$0xC200] =	vst v0  }
0x201: {  	v0 =	vld [tilespmem:s0+$0xFFFFFF70];
	[tilespmem:s31+$0xC220] =	vst v1  }
0x202: {  	v1 =	vld [tilespmem:s30+$0xFFFFFF90];
	[tilespmem:s29+$0xC240] =	vst v2  }
0x203: {  	v2 =	vld [tilespmem:s28+$0xFFFFFFF0];
	[tilespmem:s25+$0xC260] =	vst v3  }
0x204: {  	v5 =	vld [tilespmem:s26+$0x10];
	[tilespmem:s23+$0xC600] =	vst v4  }
0x205: {  	s6 =	simm.s32 $0xA20;
	v6 =	vld [tilespmem:s24+$0x70]  }
0x206: {  	[tilespmem:s1+$0xC210] =	vst v0;
	v0 =	vld [tilespmem:s6+$0xFFFFFF60]  }
0x207: {  	[tilespmem:s31+$0xC230] =	vst v1;
	v4 =	vld [tilespmem:s0+$0xFFFFFF80]  }
0x208: {  	s9 =	simm.s32 $0x500;
	s7 =	simm.s32 $0x280;
	[tilespmem:s29+$0xC250] =	vst v2;
	v3 =	vld [tilespmem:s30+$0xFFFFFFE0]  }
0x209: {  	s4 =	sand.u32 $0x7800, s9;
	s10 =	sand.u32 $0x380, s7;
	[tilespmem:s25+$0xC270] =	vst v5;
	v2 =	vld [tilespmem:s28+$0x0]  }
0x20a: {  	s5 =	sor.u32 s10, s4;
	[tilespmem:s23+$0xC610] =	vst v6;
	v1 =	vld [tilespmem:s26+$0x60]  }
0x20b: {  	s8 =	simm.s32 $0x600;
	s4 =	simm.s32 $0xA20;
	[tilespmem:s5+$0xC200] =	vst v0;
	v0 =	vld [tilespmem:s24+$0x80]  }
.LBB2_8:
0x20c: {  	p0 =	sne.s32 s8, $0x7F00;
	v5 =	vld [tilespmem:s6+$0xFFFFFF70];
	[tilespmem:s1+$0xC220] =	vst v4;
	s9 =	smov.u32 s1;
	s1 =	smov.u32 s5  }
0x20d: {  	v4 =	vld [tilespmem:s0+$0xFFFFFF90];
	[tilespmem:s31+$0xC240] =	vst v3  }
0x20e: {  	v3 =	vld [tilespmem:s30+$0xFFFFFFF0];
	[tilespmem:s29+$0xC260] =	vst v2  }
0x20f: {  	v2 =	vld [tilespmem:s28+$0x10];
	[tilespmem:s25+$0xC600] =	vst v1  }
0x210: {  	v1 =	vld [tilespmem:s26+$0x70];
	[tilespmem:s23+$0xC620] =	vst v0  }
0x211: {  	s6 =	sadd.s32 $0x180, s6;
	[tilespmem:s1+$0xC210] =	vst v5;
	v0 =	vld [tilespmem:s24+$0x90];
	s24 =	smov.u32 s26;
	s26 =	smov.u32 s28  }
0x212: {  	s28 =	smov.u32 s30;
	s30 =	smov.u32 s0;
	s0 =	smov.u32 s4;
	v5 =	vld [tilespmem:s6+$0xFFFFFF60];
	[tilespmem:s9+$0xC230] =	vst v4  }
.Ltmp3:
0x213: {  	s4 =	smov.u32 s6;
	v4 =	vld [tilespmem:s0+$0xFFFFFF80];
	[tilespmem:s31+$0xC250] =	vst v3;
	(pc) =	sbr.rel @p0 .LBB2_8-.Ltmp3, $4  }
0x214: {  	s7 =	sadd.s32 $0x80, s7;
	v3 =	vld [tilespmem:s30+$0xFFFFFFE0];
	[tilespmem:s29+$0xC270] =	vst v2  }
0x215: {  	s5 =	sand.u32 $0x7800, s8;
	s10 =	sand.u32 $0x380, s7;
	v2 =	vld [tilespmem:s28+$0x0];
	[tilespmem:s25+$0xC610] =	vst v1  }
0x216: {  	s5 =	sor.u32 s10, s5;
	v1 =	vld [tilespmem:s26+$0x60];
	[tilespmem:s23+$0xC630] =	vst v0;
	s23 =	smov.u32 s25;
	s25 =	smov.u32 s29  }
0x217: {  	s8 =	sadd.s32 $0x100, s8;
	s29 =	smov.u32 s31;
	s31 =	smov.u32 s9;
	[tilespmem:s5+$0xC200] =	vst v5;
	v0 =	vld [tilespmem:s24+$0x80]  }
0x218: {  	v5 =	vld [tilespmem:s6+$0xFFFFFF70];
	_ =	sdelay $0x4  }
0x219: {  	[tilespmem:s5+$0xC210] =	vst v5  }
0x21a: {  	v5 =	vld [tilespmem:s4+$0xFFFFFF80];
	_ =	sdelay $0x3  }
0x21b: {  	[tilespmem:s1+$0xC220] =	vst v4  }
0x21c: {  	v4 =	vld [tilespmem:s0+$0xFFFFFF90];
	[tilespmem:s5+$0xC220] =	vst v5  }
0x21d: {  	v5 =	vld [tilespmem:s4+$0xFFFFFF90];
	_ =	sdelay $0x3  }
0x21e: {  	[tilespmem:s1+$0xC230] =	vst v4  }
0x21f: {  	v4 =	vld [tilespmem:s0+$0xFFFFFFE0];
	[tilespmem:s5+$0xC230] =	vst v5  }
0x220: {  	v5 =	vld [tilespmem:s4+$0xFFFFFFE0];
	_ =	sdelay $0x2  }
0x221: {  	[tilespmem:s31+$0xC240] =	vst v3  }
0x222: {  	v3 =	vld [tilespmem:s30+$0xFFFFFFF0];
	[tilespmem:s1+$0xC240] =	vst v4  }
0x223: {  	v4 =	vld [tilespmem:s0+$0xFFFFFFF0];
	[tilespmem:s5+$0xC240] =	vst v5  }
0x224: {  	v5 =	vld [tilespmem:s4+$0xFFFFFFF0];
	_ =	sdelay $0x2  }
0x225: {  	[tilespmem:s31+$0xC250] =	vst v3  }
0x226: {  	v3 =	vld [tilespmem:s30+$0x0];
	[tilespmem:s1+$0xC250] =	vst v4  }
0x227: {  	v4 =	vld [tilespmem:s0+$0x0];
	[tilespmem:s5+$0xC250] =	vst v5  }
0x228: {  	v5 =	vld [tilespmem:s4+$0x0];
	_ =	sdelay $0x1  }
0x229: {  	[tilespmem:s29+$0xC260] =	vst v2  }
0x22a: {  	v2 =	vld [tilespmem:s28+$0x10];
	[tilespmem:s31+$0xC260] =	vst v3  }
0x22b: {  	v3 =	vld [tilespmem:s30+$0x10];
	[tilespmem:s1+$0xC260] =	vst v4  }
0x22c: {  	v4 =	vld [tilespmem:s0+$0x10];
	[tilespmem:s5+$0xC260] =	vst v5  }
0x22d: {  	v5 =	vld [tilespmem:s4+$0x10];
	_ =	sdelay $0x1  }
0x22e: {  	[tilespmem:s29+$0xC270] =	vst v2  }
0x22f: {  	v2 =	vld [tilespmem:s28+$0x60];
	[tilespmem:s31+$0xC270] =	vst v3  }
0x230: {  	v3 =	vld [tilespmem:s30+$0x60];
	[tilespmem:s1+$0xC270] =	vst v4  }
0x231: {  	v4 =	vld [tilespmem:s0+$0x60];
	[tilespmem:s5+$0xC270] =	vst v5  }
0x232: {  	v5 =	vld [tilespmem:s4+$0x60]  }
0x233: {  	[tilespmem:s25+$0xC600] =	vst v1  }
0x234: {  	v1 =	vld [tilespmem:s26+$0x70];
	[tilespmem:s29+$0xC600] =	vst v2  }
0x235: {  	v2 =	vld [tilespmem:s28+$0x70];
	[tilespmem:s31+$0xC600] =	vst v3  }
0x236: {  	v3 =	vld [tilespmem:s30+$0x70];
	[tilespmem:s1+$0xC600] =	vst v4  }
0x237: {  	v4 =	vld [tilespmem:s0+$0x70];
	[tilespmem:s5+$0xC600] =	vst v5  }
0x238: {  	v5 =	vld [tilespmem:s4+$0x70]  }
0x239: {  	[tilespmem:s25+$0xC610] =	vst v1  }
0x23a: {  	v1 =	vld [tilespmem:s26+$0x80];
	[tilespmem:s29+$0xC610] =	vst v2  }
0x23b: {  	v2 =	vld [tilespmem:s28+$0x80];
	[tilespmem:s31+$0xC610] =	vst v3  }
0x23c: {  	v3 =	vld [tilespmem:s30+$0x80];
	[tilespmem:s1+$0xC610] =	vst v4  }
0x23d: {  	v4 =	vld [tilespmem:s0+$0x80];
	[tilespmem:s5+$0xC610] =	vst v5  }
0x23e: {  	[tilespmem:s23+$0xC620] =	vst v0;
	v62 =	vld [tilespmem:s4+$0x80]  }
0x23f: {  	v63 =	vld [tilespmem:s24+$0x90];
	[tilespmem:s25+$0xC620] =	vst v1  }
0x240: {  	v1 =	vld [tilespmem:s26+$0x90];
	[tilespmem:s29+$0xC620] =	vst v2  }
0x241: {  	v2 =	vld [tilespmem:s28+$0x90];
	[tilespmem:s31+$0xC620] =	vst v3  }
0x242: {  	v3 =	vld [tilespmem:s30+$0x90];
	[tilespmem:s1+$0xC620] =	vst v4  }
0x243: {  	v4 =	vld [tilespmem:s0+$0x90];
	[tilespmem:s5+$0xC620] =	vst v62  }
0x244: {  	[tilespmem:s23+$0xC630] =	vst v63;
	v0 =	vld [tilespmem:s4+$0x90]  }
0x245: {  	[tilespmem:s25+$0xC630] =	vst v1  }
0x246: {  	[tilespmem:s29+$0xC630] =	vst v2  }
0x247: {  	s22 =	sadd.s32 $0x1, s22;
	[tilespmem:s31+$0xC630] =	vst v3  }
0x248: {  	p0 =	sne.s32 s22, s12;
	[tilespmem:s1+$0xC630] =	vst v4  }
.Ltmp4:
0x249: {  	[tilespmem:s5+$0xC630] =	vst v0;
	(pc) =	sbr.rel @p0 .LBB2_1-.Ltmp4, $4  }
0x24a: {  	[hbm4b:s11+s3] =	stream.linear.scatter [tilespmem:s20], [sflag:$0x2], $0x8000, $0x38;
	[tilespmem:$0x14200] =	vst v63  }
0x24b: {  	_ =	swait.ge [sflag:s21], $0x8000  }
0x24c: {  	[sflag:s21] =	ssyncset.done $0x0  }
0x24d: {  	[sflag:s21] =	ssyncadd.s32 $0xFFFF8000  }
0x24e: {  	_ =	sfence.sel $0x180000  }
0x24f: {  	[bflag:$0x0] =	sbarrier.arrive $0xFFFF  }
0x250: {  	_ =	strace $0x90000047  }
0x251: {  	s0 =	stileid.u32;
	[bflag:$0x2] =	sbarrier.arrive $0xFFFF  }
0x252: {  	p0 =	sne.s32 s0, $0x0;
	s0 =	rddreg [dreg:$0x2]  }
0x253: {  	s0 =	sadd.s32 @!p0 $0x100000, s0  }
0x254: {  	[sflag:s0] =	ssyncadd.tile.s32 @!p0 $0x1;
	_ =	shalt  }
.Lfunc_end2:
_tile_overlayer_lowered:
.L_overlay_start_2:
0x255: {  	(tag) =	ssettag $0x2  }
0x256: {  	s0 =	rddreg [dreg:$0x0];
	s2 =	stileid.u32  }
0x257: {  	s1 =	rddreg [dreg:$0x1];
	p0 =	sne.s32 s2, $0x0  }
0x258: {  	s3 =	rddreg [dreg:$0x2];
	[bflag:$0x3] =	sbarrier.arrive $0xFFFF;
	s2 =	simm.s32 @!p0 $0x1C03  }
0x259: {  	[timem:s3], [sflag:s2] =	dma.local @!p0 [hbm:s0], s1  }
0x25a: {  	s0 =	simm.s32 @!p0 $0x3  }
0x25b: {  	_ =	swait.ge @!p0 [sflag:s0], s1  }
0x25c: {  	s1 =	ssub.s32 @!p0 $0x0, s1;
	[sflag:s0] =	ssyncset.done @!p0 $0x0  }
0x25d: {  	[sflag:s0] =	ssyncadd.s32 @!p0 s1  }
0x25e: {  	[bflag:$0x3] =	sbarrier.arrive $0xFFFF  }
0x25f: {  	_ =	shalt  }

</sc_bundles>
